<compile_context>
chip_gen: v7x
topology: tpu7x:2x2x1
jax: 0.10.2.dev20260603
libtpu: 0.0.44.dev20260713+nightly
codegen_flags: <defaults>
</compile_context>

<pallas_src>
import functools

import jax
import jax.numpy as jnp
from jax import lax
from jax.experimental import pallas as pl
from jax.experimental.pallas import tpu as pltpu
from jax.experimental.pallas import tpu_sc as plsc

N = 10000
F = 128
NC = 2
NS = 16
NW = NC * NS
CHUNK = 128
NCHUNK = 80
EPT = NCHUNK * CHUNK
EPAD = NW * EPT
NPAD = 10240
STRIPE = NPAD // NS
BR = 1280
GRID = NPAD // BR

_mesh = plsc.VectorSubcoreMesh(core_axis_name="c", subcore_axis_name="s")



@functools.partial(
    pl.kernel,
    out_type=jax.ShapeDtypeStruct((NC, NPAD, F), jnp.float32),
    mesh=_mesh,
    scratch_types=[
        pltpu.VMEM((CHUNK,), jnp.int32),
        pltpu.VMEM((CHUNK,), jnp.int32),
        pltpu.VMEM((CHUNK, F), jnp.float32),
        pltpu.VMEM_SHARED((NPAD, F), jnp.float32),
        pltpu.SemaphoreType.DMA,
        pltpu.SemaphoreType.DMA,
    ],
)
def _deg_pass(dst_hbm, eye_hbm, z_hbm, out_hbm, idx0, idx1, upd_v, deg_sh,
              semi0, semi1):
    c = lax.axis_index("c")
    s = lax.axis_index("s")
    wid = s * NC + c
    pltpu.sync_copy(eye_hbm, upd_v)
    pltpu.sync_copy(z_hbm.at[pl.ds(s * STRIPE, STRIPE)],
                    deg_sh.at[pl.ds(s * STRIPE, STRIPE)])
    plsc.subcore_barrier()

    idx = (idx0, idx1)
    semi = (semi0, semi1)

    def issue(j, b):
        pltpu.async_copy(dst_hbm.at[wid, j], idx[b], semi[b])

    def wait_and_scatter(j, b):
        pltpu.make_async_copy(dst_hbm.at[wid, j], idx[b], semi[b]).wait()
        pltpu.sync_copy(upd_v, deg_sh.at[idx[b]], add=True)

    issue(0, 0)

    def body(jj, carry):
        j0 = jj * 2
        issue(j0 + 1, 1)
        wait_and_scatter(j0, 0)

        @pl.when(j0 + 2 < NCHUNK)
        def _():
            issue(j0 + 2, 0)

        wait_and_scatter(j0 + 1, 1)
        return carry

    lax.fori_loop(0, NCHUNK // 2, body, 0)
    plsc.subcore_barrier()
    pltpu.sync_copy(deg_sh.at[pl.ds(s * STRIPE, STRIPE)],
                    out_hbm.at[c, pl.ds(s * STRIPE, STRIPE)])


@functools.partial(
    pl.kernel,
    out_type=jax.ShapeDtypeStruct((NC, NPAD, F), jnp.float32),
    mesh=_mesh,
    scratch_types=[
        pltpu.VMEM((NCHUNK, CHUNK), jnp.int32),
        pltpu.VMEM((CHUNK,), jnp.int32),
        pltpu.VMEM((CHUNK,), jnp.int32),
        pltpu.VMEM((CHUNK, F), jnp.float32),
        pltpu.VMEM((CHUNK, F), jnp.float32),
        pltpu.VMEM_SHARED((NPAD, F), jnp.float32),
        pltpu.SemaphoreType.DMA,
        pltpu.SemaphoreType.DMA,
        pltpu.SemaphoreType.DMA,
        pltpu.SemaphoreType.DMA,
    ],
)
def _agg_pass(src_hbm, dst_hbm, hs_hbm, z_hbm, out_hbm,
              src_v, didx0, didx1, rows0, rows1, acc_sh,
              semg0, semg1, semi0, semi1):
    c = lax.axis_index("c")
    s = lax.axis_index("s")
    wid = s * NC + c
    pltpu.sync_copy(src_hbm.at[wid], src_v)
    pltpu.sync_copy(z_hbm.at[pl.ds(s * STRIPE, STRIPE)],
                    acc_sh.at[pl.ds(s * STRIPE, STRIPE)])
    plsc.subcore_barrier()

    didx = (didx0, didx1)
    rows = (rows0, rows1)
    semg = (semg0, semg1)
    semi = (semi0, semi1)

    def issue(j, b):
        pltpu.async_copy(dst_hbm.at[wid, j], didx[b], semi[b])
        pltpu.async_copy(hs_hbm.at[src_v.at[j]], rows[b], semg[b])

    def wait_and_scatter(j, b):
        pltpu.make_async_copy(dst_hbm.at[wid, j], didx[b], semi[b]).wait()
        pltpu.make_async_copy(hs_hbm.at[src_v.at[j]], rows[b], semg[b]).wait()
        pltpu.sync_copy(rows[b], acc_sh.at[didx[b]], add=True)

    issue(0, 0)

    def body(jj, carry):
        j0 = jj * 2
        issue(j0 + 1, 1)
        wait_and_scatter(j0, 0)

        @pl.when(j0 + 2 < NCHUNK)
        def _():
            issue(j0 + 2, 0)

        wait_and_scatter(j0 + 1, 1)
        return carry

    lax.fori_loop(0, NCHUNK // 2, body, 0)
    plsc.subcore_barrier()
    pltpu.sync_copy(acc_sh.at[pl.ds(s * STRIPE, STRIPE)],
                    out_hbm.at[c, pl.ds(s * STRIPE, STRIPE)])



def _dinv(degp):
    return lax.rsqrt(1.0 + degp[0, :, 0:1] + degp[1, :, 0:1])


def _k1_body(degp, x, w, b, o):
    dinv = _dinv(degp)
    lin = jnp.dot(x[...], w[...], preferred_element_type=jnp.float32)
    o[...] = (lin + b[...][None, :]) * dinv


def _k23_body(degp, a, hs, w, b, o):
    dinv = _dinv(degp)
    h = jnp.maximum((a[0] + a[1] + hs[...]) * dinv, 0.0)
    lin = jnp.dot(h, w[...], preferred_element_type=jnp.float32)
    o[...] = (lin + b[...][None, :]) * dinv


def _k4_body(degp, a, hs, o):
    o[...] = (a[0] + a[1] + hs[...]) * _dinv(degp)


_spec_degp = pl.BlockSpec((NC, BR, F), lambda i: (0, i, 0))
_spec_rows = pl.BlockSpec((BR, F), lambda i: (i, 0))
_spec_acc = pl.BlockSpec((NC, BR, F), lambda i: (0, i, 0))
_spec_w = pl.BlockSpec((F, F), lambda i: (0, 0))
_spec_b = pl.BlockSpec((F,), lambda i: (0,))
_out_rows = jax.ShapeDtypeStruct((NPAD, F), jnp.float32)

_k1 = pl.pallas_call(
    _k1_body, grid=(GRID,),
    in_specs=[_spec_degp, _spec_rows, _spec_w, _spec_b],
    out_specs=_spec_rows, out_shape=_out_rows)

_k23 = pl.pallas_call(
    _k23_body, grid=(GRID,),
    in_specs=[_spec_degp, _spec_acc, _spec_rows, _spec_w, _spec_b],
    out_specs=_spec_rows, out_shape=_out_rows)

_k4 = pl.pallas_call(
    _k4_body, grid=(GRID,),
    in_specs=[_spec_degp, _spec_acc, _spec_rows],
    out_specs=_spec_rows, out_shape=_out_rows)



def kernel(x, edge_index, W1, b1, W2, b2, Wmu, bmu, Wls, bls):
    n, f = x.shape
    e = edge_index.shape[1]
    src = edge_index[0].astype(jnp.int32)
    dst = edge_index[1].astype(jnp.int32)
    pad = EPAD - e
    ar = jnp.arange(pad, dtype=jnp.int32)
    pad_src = (ar * 131) % n
    pad_dst = n + ar % (NPAD - n)
    src_r = jnp.concatenate([src, pad_src]).reshape(NW, NCHUNK, CHUNK)
    dst_r = jnp.concatenate([dst, pad_dst]).reshape(NW, NCHUNK, CHUNK)
    xp = jnp.pad(x, ((0, NPAD - n), (0, 0)))
    Wml = jnp.concatenate([Wmu, Wls], axis=1)
    bml = jnp.concatenate([bmu, bls])
    zini = jnp.zeros((NPAD, F), jnp.float32)
    eye0 = jnp.zeros((CHUNK, F), jnp.float32).at[:, 0].set(1.0)

    degp = _deg_pass(dst_r, eye0, zini)

    hs1 = _k1(degp, xp, W1, b1)
    a1 = _agg_pass(src_r, dst_r, hs1, zini)
    hs2 = _k23(degp, a1, hs1, W2, b2)
    a2 = _agg_pass(src_r, dst_r, hs2, zini)
    hs3 = _k23(degp, a2, hs2, Wml, bml)
    a3 = _agg_pass(src_r, dst_r, hs3, zini)
    out = _k4(degp, a3, hs3)
    return out[:n, :64], out[:n, 64:]

# --- scband reference (transcript-rebuilt; emitter-appended) ---
"""Pipeline reference for scband-vgaeencoder-1211180778233 (READ-ONLY COPY).

The authoritative reference and input builder live on the scoring server;
editing this copy changes nothing except your own understanding.
"""

import jax, jax.numpy as jnp
import numpy as np

N_NODES = 10000


def gcn_conv(x, src, dst, W, b, n):
    # PyG GCNConv: linear transform, add self-loops, symmetric normalization, scatter-add
    h = x @ W + b
    loop = jnp.arange(n, dtype=src.dtype)
    src2 = jnp.concatenate([src, loop])
    dst2 = jnp.concatenate([dst, loop])
    deg = jnp.zeros((n,), dtype=h.dtype).at[dst2].add(1.0)
    dinv = jax.lax.rsqrt(jnp.where(deg > 0, deg, 1.0))
    norm = dinv[src2] * dinv[dst2]
    msg = h[src2] * norm[:, None]
    out = jnp.zeros((n, h.shape[1]), dtype=h.dtype).at[dst2].add(msg)
    return out


def setup_inputs(seed: int = 0) -> dict:
    key = jax.random.key(seed)
    ks = [jax.random.fold_in(key, i) for i in range(12)]
    x = jax.random.normal(ks[0], (N_NODES, 128), dtype=jnp.float32)
    edge_index = jax.random.randint(ks[1], (2, 320000), 0, N_NODES, dtype=jnp.int64)
    W1 = jax.random.normal(ks[2], (128, 128), dtype=jnp.float32) * 0.05
    b1 = jnp.zeros((128,), dtype=jnp.float32)
    W2 = jax.random.normal(ks[3], (128, 128), dtype=jnp.float32) * 0.05
    b2 = jnp.zeros((128,), dtype=jnp.float32)
    Wmu = jax.random.normal(ks[4], (128, 64), dtype=jnp.float32) * 0.05
    bmu = jnp.zeros((64,), dtype=jnp.float32)
    Wls = jax.random.normal(ks[5], (128, 64), dtype=jnp.float32) * 0.05
    bls = jnp.zeros((64,), dtype=jnp.float32)
    return {"x": x, "edge_index": edge_index, "W1": W1, "b1": b1, "W2": W2, "b2": b2,
            "Wmu": Wmu, "bmu": bmu, "Wls": Wls, "bls": bls}


def reference(x, edge_index, W1, b1, W2, b2, Wmu, bmu, Wls, bls):
    n = x.shape[0]
    src = edge_index[0]
    dst = edge_index[1]
    h = jax.nn.relu(gcn_conv(x, src, dst, W1, b1, n))
    # dropout(p=0.3) is identity in eval mode
    h = jax.nn.relu(gcn_conv(h, src, dst, W2, b2, n))
    mu = gcn_conv(h, src, dst, Wmu, bmu, n)
    logstd = gcn_conv(h, src, dst, Wls, bls, n)
    return (mu, logstd)

if __name__ == "__main__":
    import jax
    _d = setup_inputs()
    print(jax.jit(kernel)(*tuple(_d.values())))

</pallas_src>

<mosaic_0001>
#map = affine_map<(d0, d1) -> (0, 0, 0)>
#map1 = affine_map<(d0, d1) -> (0, 0)>
module attributes {stable_mosaic.version = 14 : i64} {
  func.func @_deg_pass(%arg0: i32, %arg1: i32, %arg2: memref<32x80x128xi32, #tpu.memory_space<hbm>>, %arg3: memref<128x128xf32, #tpu.memory_space<hbm>>, %arg4: memref<10240x128xf32, #tpu.memory_space<hbm>>, %arg5: memref<2x10240x128xf32, #tpu.memory_space<hbm>>, %arg6: memref<128xi32, #tpu.memory_space<vmem>>, %arg7: memref<128xi32, #tpu.memory_space<vmem>>, %arg8: memref<128x128xf32, #tpu.memory_space<vmem>>, %arg9: memref<10240x128xf32, #tpu.memory_space<vmem_shared>>, %arg10: memref<!tpu.dma_semaphore, #tpu.memory_space<semaphore_mem>>, %arg11: memref<!tpu.dma_semaphore, #tpu.memory_space<semaphore_mem>>) attributes {dimension_semantics = [#tpu.dimension_semantics<core_parallel>, #tpu.dimension_semantics<subcore_parallel>], iteration_bounds = array<i64: 2, 16>, scalar_prefetch = 0 : i64, scratch_operands = 6 : i64, tpu.core_type = #tpu.core_type<sc_vector_subcore>, window_params = [{transform_indices = #map}, {transform_indices = #map1}, {transform_indices = #map1}, {transform_indices = #map}]} {
    %mul3A = arith.constant 2 : i32
    %mul3A_0 = arith.muli %arg1, %mul3A : i32
    %add3A = arith.addi %mul3A_0, %arg0 : i32
    "tpu.region"() ({
      %run_scoped3A = tpu.sem_alloc : memref<!tpu.dma_semaphore, #tpu.memory_space<semaphore_mem>>
      tpu.enqueue_dma source(%arg3 : memref<128x128xf32, #tpu.memory_space<hbm>>) target(%arg8 : memref<128x128xf32, #tpu.memory_space<vmem>>) target_semaphore(%run_scoped3A : memref<!tpu.dma_semaphore, #tpu.memory_space<semaphore_mem>>)
      tpu.wait_dma2 semaphore(%run_scoped3A : memref<!tpu.dma_semaphore, #tpu.memory_space<semaphore_mem>>) src(%arg3 : memref<128x128xf32, #tpu.memory_space<hbm>>) dst(%arg8 : memref<128x128xf32, #tpu.memory_space<vmem>>)
      tpu.yield
    }) : () -> ()
    %mul3A_1 = arith.constant 640 : i32
    %mul3A_2 = arith.muli %arg1, %mul3A_1 : i32
    %mul3A_3 = arith.constant 640 : i32
    %mul3A_4 = arith.muli %arg1, %mul3A_3 : i32
    "tpu.region"() ({
      %run_scoped3A = tpu.sem_alloc : memref<!tpu.dma_semaphore, #tpu.memory_space<semaphore_mem>>
      %dma_start3A_21 = arith.constant 0 : i32
      %dma_start3A_22 = tpu.memref_slice %arg9[%mul3A_4, %dma_start3A_21] : memref<10240x128xf32, #tpu.memory_space<vmem_shared>> -> memref<640x128xf32, #tpu.memory_space<vmem_shared>>
      %dma_start3A_23 = arith.constant 0 : i32
      %dma_start3A_24 = tpu.memref_slice %arg4[%mul3A_2, %dma_start3A_23] : memref<10240x128xf32, #tpu.memory_space<hbm>> -> memref<640x128xf32, #tpu.memory_space<hbm>>
      tpu.enqueue_dma source(%dma_start3A_24 : memref<640x128xf32, #tpu.memory_space<hbm>>) target(%dma_start3A_22 : memref<640x128xf32, #tpu.memory_space<vmem_shared>>) target_semaphore(%run_scoped3A : memref<!tpu.dma_semaphore, #tpu.memory_space<semaphore_mem>>)
      %dma_wait3A = arith.constant 0 : i32
      %dma_wait3A_25 = tpu.memref_slice %arg9[%mul3A_4, %dma_wait3A] : memref<10240x128xf32, #tpu.memory_space<vmem_shared>> -> memref<640x128xf32, #tpu.memory_space<vmem_shared>>
      %dma_wait3A_26 = arith.constant 0 : i32
      %dma_wait3A_27 = tpu.memref_slice %arg4[%mul3A_2, %dma_wait3A_26] : memref<10240x128xf32, #tpu.memory_space<hbm>> -> memref<640x128xf32, #tpu.memory_space<hbm>>
      tpu.wait_dma2 semaphore(%run_scoped3A : memref<!tpu.dma_semaphore, #tpu.memory_space<semaphore_mem>>) src(%dma_wait3A_27 : memref<640x128xf32, #tpu.memory_space<hbm>>) dst(%dma_wait3A_25 : memref<640x128xf32, #tpu.memory_space<vmem_shared>>)
      tpu.yield
    }) : () -> ()
    %barrier3A = arith.constant 0 : index
    tpu.barrier barrier_id(%barrier3A)
    %dma_start3A = arith.constant 0 : i32
    %dma_start3A_5 = arith.constant 0 : i32
    %dma_start3A_6 = tpu.memref_slice %arg2[%add3A, %dma_start3A, %dma_start3A_5] : memref<32x80x128xi32, #tpu.memory_space<hbm>> -> memref<1x1x128xi32, #tpu.memory_space<hbm>>
    %dma_start3A_7 = tpu.memref_squeeze %dma_start3A_6 : memref<1x1x128xi32, #tpu.memory_space<hbm>> -> memref<128xi32, #tpu.memory_space<hbm>>
    %dma_start3A_8 = arith.constant 0 : i32
    %dma_start3A_9 = tpu.memref_slice %arg2[%add3A, %dma_start3A, %dma_start3A_8] : memref<32x80x128xi32, #tpu.memory_space<hbm>> -> memref<1x1x128xi32, #tpu.memory_space<hbm>>
    %dma_start3A_10 = tpu.memref_squeeze %dma_start3A_9 : memref<1x1x128xi32, #tpu.memory_space<hbm>> -> memref<128xi32, #tpu.memory_space<hbm>>
    tpu.enqueue_dma source(%dma_start3A_10 : memref<128xi32, #tpu.memory_space<hbm>>) target(%arg6 : memref<128xi32, #tpu.memory_space<vmem>>) target_semaphore(%arg10 : memref<!tpu.dma_semaphore, #tpu.memory_space<semaphore_mem>>)
    %scan3A = arith.constant 0 : i32
    %scan3A_11 = arith.constant 0 : i32
    %scan3A_12 = arith.constant 40 : i32
    %scan3A_13 = arith.addi %scan3A_11, %scan3A_12 : i32
    %scan3A_14 = arith.constant 1 : i32
    scf.for %scan3A_21 = %scan3A_11 to %scan3A_13 step %scan3A_14  : i32 {
      %mul3A_22 = arith.constant 2 : i32
      %mul3A_23 = arith.muli %scan3A_21, %mul3A_22 : i32
      %add3A_24 = arith.constant 1 : i32
      %add3A_25 = arith.addi %mul3A_23, %add3A_24 : i32
      %dma_start3A_26 = arith.constant 0 : i32
      %dma_start3A_27 = tpu.memref_slice %arg2[%add3A, %add3A_25, %dma_start3A_26] : memref<32x80x128xi32, #tpu.memory_space<hbm>> -> memref<1x1x128xi32, #tpu.memory_space<hbm>>
      %dma_start3A_28 = tpu.memref_squeeze %dma_start3A_27 : memref<1x1x128xi32, #tpu.memory_space<hbm>> -> memref<128xi32, #tpu.memory_space<hbm>>
      %dma_start3A_29 = arith.constant 0 : i32
      %dma_start3A_30 = tpu.memref_slice %arg2[%add3A, %add3A_25, %dma_start3A_29] : memref<32x80x128xi32, #tpu.memory_space<hbm>> -> memref<1x1x128xi32, #tpu.memory_space<hbm>>
      %dma_start3A_31 = tpu.memref_squeeze %dma_start3A_30 : memref<1x1x128xi32, #tpu.memory_space<hbm>> -> memref<128xi32, #tpu.memory_space<hbm>>
      tpu.enqueue_dma source(%dma_start3A_31 : memref<128xi32, #tpu.memory_space<hbm>>) target(%arg7 : memref<128xi32, #tpu.memory_space<vmem>>) target_semaphore(%arg11 : memref<!tpu.dma_semaphore, #tpu.memory_space<semaphore_mem>>)
      %dma_wait3A = arith.constant 0 : i32
      %dma_wait3A_32 = tpu.memref_slice %arg2[%add3A, %mul3A_23, %dma_wait3A] : memref<32x80x128xi32, #tpu.memory_space<hbm>> -> memref<1x1x128xi32, #tpu.memory_space<hbm>>
      %dma_wait3A_33 = tpu.memref_squeeze %dma_wait3A_32 : memref<1x1x128xi32, #tpu.memory_space<hbm>> -> memref<128xi32, #tpu.memory_space<hbm>>
      %dma_wait3A_34 = arith.constant 0 : i32
      %dma_wait3A_35 = tpu.memref_slice %arg2[%add3A, %mul3A_23, %dma_wait3A_34] : memref<32x80x128xi32, #tpu.memory_space<hbm>> -> memref<1x1x128xi32, #tpu.memory_space<hbm>>
      %dma_wait3A_36 = tpu.memref_squeeze %dma_wait3A_35 : memref<1x1x128xi32, #tpu.memory_space<hbm>> -> memref<128xi32, #tpu.memory_space<hbm>>
      tpu.wait_dma2 semaphore(%arg10 : memref<!tpu.dma_semaphore, #tpu.memory_space<semaphore_mem>>) src(%dma_wait3A_36 : memref<128xi32, #tpu.memory_space<hbm>>) dst(%arg6 : memref<128xi32, #tpu.memory_space<vmem>>)
      "tpu.region"() ({
        %run_scoped3A = tpu.sem_alloc : memref<!tpu.dma_semaphore, #tpu.memory_space<semaphore_mem>>
        %dma_start3A_49 = arith.constant 0 : i32
        %dma_start3A_50 = arith.constant 0 : i32
        %dma_start3A_51 = tpu.memref_slice %arg9[%dma_start3A_49, %dma_start3A_50] : memref<10240x128xf32, #tpu.memory_space<vmem_shared>> -> memref<10240x128xf32, #tpu.memory_space<vmem_shared>>
        tpu.enqueue_indirect_dma source(%arg8 : memref<128x128xf32, #tpu.memory_space<vmem>>) target(%dma_start3A_51 : memref<10240x128xf32, #tpu.memory_space<vmem_shared>>) offsets(%arg6 : memref<128xi32, #tpu.memory_space<vmem>>) semaphore(%run_scoped3A : memref<!tpu.dma_semaphore, #tpu.memory_space<semaphore_mem>>) {add = true}
        %dma_wait3A_52 = arith.constant 0 : i32
        %dma_wait3A_53 = arith.constant 0 : i32
        %dma_wait3A_54 = tpu.memref_slice %arg9[%dma_wait3A_52, %dma_wait3A_53] : memref<10240x128xf32, #tpu.memory_space<vmem_shared>> -> memref<10240x128xf32, #tpu.memory_space<vmem_shared>>
        tpu.wait_indirect_dma semaphore(%run_scoped3A : memref<!tpu.dma_semaphore, #tpu.memory_space<semaphore_mem>>) src(%arg8 : memref<128x128xf32, #tpu.memory_space<vmem>>) dst(%dma_wait3A_54 : memref<10240x128xf32, #tpu.memory_space<vmem_shared>>)
        tpu.yield
      }) : () -> ()
      %add3A_37 = arith.constant 2 : i32
      %add3A_38 = arith.addi %mul3A_23, %add3A_37 : i32
      %lt3A = arith.constant 80 : i32
      %lt3A_39 = arith.cmpi slt, %add3A_38, %lt3A : i32
      %convert_element_type3A = arith.extui %lt3A_39 : i1 to i32
      %cond3A = arith.constant 0 : i32
      %cond3A_40 = arith.cmpi ne, %convert_element_type3A, %cond3A : i32
      scf.if %cond3A_40 {
        %add3A_49 = arith.constant 2 : i32
        %add3A_50 = arith.addi %mul3A_23, %add3A_49 : i32
        %dma_start3A_51 = arith.constant 0 : i32
        %dma_start3A_52 = tpu.memref_slice %arg2[%add3A, %add3A_50, %dma_start3A_51] : memref<32x80x128xi32, #tpu.memory_space<hbm>> -> memref<1x1x128xi32, #tpu.memory_space<hbm>>
        %dma_start3A_53 = tpu.memref_squeeze %dma_start3A_52 : memref<1x1x128xi32, #tpu.memory_space<hbm>> -> memref<128xi32, #tpu.memory_space<hbm>>
        %dma_start3A_54 = arith.constant 0 : i32
        %dma_start3A_55 = tpu.memref_slice %arg2[%add3A, %add3A_50, %dma_start3A_54] : memref<32x80x128xi32, #tpu.memory_space<hbm>> -> memref<1x1x128xi32, #tpu.memory_space<hbm>>
        %dma_start3A_56 = tpu.memref_squeeze %dma_start3A_55 : memref<1x1x128xi32, #tpu.memory_space<hbm>> -> memref<128xi32, #tpu.memory_space<hbm>>
        tpu.enqueue_dma source(%dma_start3A_56 : memref<128xi32, #tpu.memory_space<hbm>>) target(%arg6 : memref<128xi32, #tpu.memory_space<vmem>>) target_semaphore(%arg10 : memref<!tpu.dma_semaphore, #tpu.memory_space<semaphore_mem>>)
      } else {
      }
      %add3A_41 = arith.constant 1 : i32
      %add3A_42 = arith.addi %mul3A_23, %add3A_41 : i32
      %dma_wait3A_43 = arith.constant 0 : i32
      %dma_wait3A_44 = tpu.memref_slice %arg2[%add3A, %add3A_42, %dma_wait3A_43] : memref<32x80x128xi32, #tpu.memory_space<hbm>> -> memref<1x1x128xi32, #tpu.memory_space<hbm>>
      %dma_wait3A_45 = tpu.memref_squeeze %dma_wait3A_44 : memref<1x1x128xi32, #tpu.memory_space<hbm>> -> memref<128xi32, #tpu.memory_space<hbm>>
      %dma_wait3A_46 = arith.constant 0 : i32
      %dma_wait3A_47 = tpu.memref_slice %arg2[%add3A, %add3A_42, %dma_wait3A_46] : memref<32x80x128xi32, #tpu.memory_space<hbm>> -> memref<1x1x128xi32, #tpu.memory_space<hbm>>
      %dma_wait3A_48 = tpu.memref_squeeze %dma_wait3A_47 : memref<1x1x128xi32, #tpu.memory_space<hbm>> -> memref<128xi32, #tpu.memory_space<hbm>>
      tpu.wait_dma2 semaphore(%arg11 : memref<!tpu.dma_semaphore, #tpu.memory_space<semaphore_mem>>) src(%dma_wait3A_48 : memref<128xi32, #tpu.memory_space<hbm>>) dst(%arg7 : memref<128xi32, #tpu.memory_space<vmem>>)
      "tpu.region"() ({
        %run_scoped3A = tpu.sem_alloc : memref<!tpu.dma_semaphore, #tpu.memory_space<semaphore_mem>>
        %dma_start3A_49 = arith.constant 0 : i32
        %dma_start3A_50 = arith.constant 0 : i32
        %dma_start3A_51 = tpu.memref_slice %arg9[%dma_start3A_49, %dma_start3A_50] : memref<10240x128xf32, #tpu.memory_space<vmem_shared>> -> memref<10240x128xf32, #tpu.memory_space<vmem_shared>>
        tpu.enqueue_indirect_dma source(%arg8 : memref<128x128xf32, #tpu.memory_space<vmem>>) target(%dma_start3A_51 : memref<10240x128xf32, #tpu.memory_space<vmem_shared>>) offsets(%arg7 : memref<128xi32, #tpu.memory_space<vmem>>) semaphore(%run_scoped3A : memref<!tpu.dma_semaphore, #tpu.memory_space<semaphore_mem>>) {add = true}
        %dma_wait3A_52 = arith.constant 0 : i32
        %dma_wait3A_53 = arith.constant 0 : i32
        %dma_wait3A_54 = tpu.memref_slice %arg9[%dma_wait3A_52, %dma_wait3A_53] : memref<10240x128xf32, #tpu.memory_space<vmem_shared>> -> memref<10240x128xf32, #tpu.memory_space<vmem_shared>>
        tpu.wait_indirect_dma semaphore(%run_scoped3A : memref<!tpu.dma_semaphore, #tpu.memory_space<semaphore_mem>>) src(%arg8 : memref<128x128xf32, #tpu.memory_space<vmem>>) dst(%dma_wait3A_54 : memref<10240x128xf32, #tpu.memory_space<vmem_shared>>)
        tpu.yield
      }) : () -> ()
    }
    %scan3A_15 = arith.constant 40 : i32
    %barrier3A_16 = arith.constant 0 : index
    tpu.barrier barrier_id(%barrier3A_16)
    %mul3A_17 = arith.constant 640 : i32
    %mul3A_18 = arith.muli %arg1, %mul3A_17 : i32
    %mul3A_19 = arith.constant 640 : i32
    %mul3A_20 = arith.muli %arg1, %mul3A_19 : i32
    "tpu.region"() ({
      %run_scoped3A = tpu.sem_alloc : memref<!tpu.dma_semaphore, #tpu.memory_space<semaphore_mem>>
      %dma_start3A_21 = arith.constant 0 : i32
      %dma_start3A_22 = tpu.memref_slice %arg5[%arg0, %mul3A_20, %dma_start3A_21] : memref<2x10240x128xf32, #tpu.memory_space<hbm>> -> memref<1x640x128xf32, #tpu.memory_space<hbm>>
      %dma_start3A_23 = tpu.memref_squeeze %dma_start3A_22 : memref<1x640x128xf32, #tpu.memory_space<hbm>> -> memref<640x128xf32, #tpu.memory_space<hbm>>
      %dma_start3A_24 = arith.constant 0 : i32
      %dma_start3A_25 = tpu.memref_slice %arg9[%mul3A_18, %dma_start3A_24] : memref<10240x128xf32, #tpu.memory_space<vmem_shared>> -> memref<640x128xf32, #tpu.memory_space<vmem_shared>>
      tpu.enqueue_dma source(%dma_start3A_25 : memref<640x128xf32, #tpu.memory_space<vmem_shared>>) target(%dma_start3A_23 : memref<640x128xf32, #tpu.memory_space<hbm>>) target_semaphore(%run_scoped3A : memref<!tpu.dma_semaphore, #tpu.memory_space<semaphore_mem>>)
      %dma_wait3A = arith.constant 0 : i32
      %dma_wait3A_26 = tpu.memref_slice %arg5[%arg0, %mul3A_20, %dma_wait3A] : memref<2x10240x128xf32, #tpu.memory_space<hbm>> -> memref<1x640x128xf32, #tpu.memory_space<hbm>>
      %dma_wait3A_27 = tpu.memref_squeeze %dma_wait3A_26 : memref<1x640x128xf32, #tpu.memory_space<hbm>> -> memref<640x128xf32, #tpu.memory_space<hbm>>
      %dma_wait3A_28 = arith.constant 0 : i32
      %dma_wait3A_29 = tpu.memref_slice %arg9[%mul3A_18, %dma_wait3A_28] : memref<10240x128xf32, #tpu.memory_space<vmem_shared>> -> memref<640x128xf32, #tpu.memory_space<vmem_shared>>
      tpu.wait_dma2 semaphore(%run_scoped3A : memref<!tpu.dma_semaphore, #tpu.memory_space<semaphore_mem>>) src(%dma_wait3A_29 : memref<640x128xf32, #tpu.memory_space<vmem_shared>>) dst(%dma_wait3A_27 : memref<640x128xf32, #tpu.memory_space<hbm>>)
      tpu.yield
    }) : () -> ()
    return
  }
}

#map = affine_map<(d0, d1) -> (0, 0, 0)>
#map1 = affine_map<(d0, d1) -> (0, 0)>
module attributes {stable_mosaic.version = 14 : i64} {
  func.func @_agg_pass(%arg0: i32, %arg1: i32, %arg2: memref<32x80x128xi32, #tpu.memory_space<hbm>>, %arg3: memref<32x80x128xi32, #tpu.memory_space<hbm>>, %arg4: memref<10240x128xf32, #tpu.memory_space<hbm>>, %arg5: memref<10240x128xf32, #tpu.memory_space<hbm>>, %arg6: memref<2x10240x128xf32, #tpu.memory_space<hbm>>, %arg7: memref<80x128xi32, #tpu.memory_space<vmem>>, %arg8: memref<128xi32, #tpu.memory_space<vmem>>, %arg9: memref<128xi32, #tpu.memory_space<vmem>>, %arg10: memref<128x128xf32, #tpu.memory_space<vmem>>, %arg11: memref<128x128xf32, #tpu.memory_space<vmem>>, %arg12: memref<10240x128xf32, #tpu.memory_space<vmem_shared>>, %arg13: memref<!tpu.dma_semaphore, #tpu.memory_space<semaphore_mem>>, %arg14: memref<!tpu.dma_semaphore, #tpu.memory_space<semaphore_mem>>, %arg15: memref<!tpu.dma_semaphore, #tpu.memory_space<semaphore_mem>>, %arg16: memref<!tpu.dma_semaphore, #tpu.memory_space<semaphore_mem>>) attributes {dimension_semantics = [#tpu.dimension_semantics<core_parallel>, #tpu.dimension_semantics<subcore_parallel>], iteration_bounds = array<i64: 2, 16>, scalar_prefetch = 0 : i64, scratch_operands = 10 : i64, tpu.core_type = #tpu.core_type<sc_vector_subcore>, window_params = [{transform_indices = #map}, {transform_indices = #map}, {transform_indices = #map1}, {transform_indices = #map1}, {transform_indices = #map}]} {
    %mul3A = arith.constant 2 : i32
    %mul3A_0 = arith.muli %arg1, %mul3A : i32
    %add3A = arith.addi %mul3A_0, %arg0 : i32
    "tpu.region"() ({
      %run_scoped3A = tpu.sem_alloc : memref<!tpu.dma_semaphore, #tpu.memory_space<semaphore_mem>>
      %dma_start3A_28 = arith.constant 0 : i32
      %dma_start3A_29 = arith.constant 0 : i32
      %dma_start3A_30 = tpu.memref_slice %arg2[%add3A, %dma_start3A_28, %dma_start3A_29] : memref<32x80x128xi32, #tpu.memory_space<hbm>> -> memref<1x80x128xi32, #tpu.memory_space<hbm>>
      %dma_start3A_31 = tpu.memref_squeeze %dma_start3A_30 : memref<1x80x128xi32, #tpu.memory_space<hbm>> -> memref<80x128xi32, #tpu.memory_space<hbm>>
      %dma_start3A_32 = arith.constant 0 : i32
      %dma_start3A_33 = arith.constant 0 : i32
      %dma_start3A_34 = tpu.memref_slice %arg2[%add3A, %dma_start3A_32, %dma_start3A_33] : memref<32x80x128xi32, #tpu.memory_space<hbm>> -> memref<1x80x128xi32, #tpu.memory_space<hbm>>
      %dma_start3A_35 = tpu.memref_squeeze %dma_start3A_34 : memref<1x80x128xi32, #tpu.memory_space<hbm>> -> memref<80x128xi32, #tpu.memory_space<hbm>>
      tpu.enqueue_dma source(%dma_start3A_35 : memref<80x128xi32, #tpu.memory_space<hbm>>) target(%arg7 : memref<80x128xi32, #tpu.memory_space<vmem>>) target_semaphore(%run_scoped3A : memref<!tpu.dma_semaphore, #tpu.memory_space<semaphore_mem>>)
      %dma_wait3A = arith.constant 0 : i32
      %dma_wait3A_36 = arith.constant 0 : i32
      %dma_wait3A_37 = tpu.memref_slice %arg2[%add3A, %dma_wait3A, %dma_wait3A_36] : memref<32x80x128xi32, #tpu.memory_space<hbm>> -> memref<1x80x128xi32, #tpu.memory_space<hbm>>
      %dma_wait3A_38 = tpu.memref_squeeze %dma_wait3A_37 : memref<1x80x128xi32, #tpu.memory_space<hbm>> -> memref<80x128xi32, #tpu.memory_space<hbm>>
      %dma_wait3A_39 = arith.constant 0 : i32
      %dma_wait3A_40 = arith.constant 0 : i32
      %dma_wait3A_41 = tpu.memref_slice %arg2[%add3A, %dma_wait3A_39, %dma_wait3A_40] : memref<32x80x128xi32, #tpu.memory_space<hbm>> -> memref<1x80x128xi32, #tpu.memory_space<hbm>>
      %dma_wait3A_42 = tpu.memref_squeeze %dma_wait3A_41 : memref<1x80x128xi32, #tpu.memory_space<hbm>> -> memref<80x128xi32, #tpu.memory_space<hbm>>
      tpu.wait_dma2 semaphore(%run_scoped3A : memref<!tpu.dma_semaphore, #tpu.memory_space<semaphore_mem>>) src(%dma_wait3A_42 : memref<80x128xi32, #tpu.memory_space<hbm>>) dst(%arg7 : memref<80x128xi32, #tpu.memory_space<vmem>>)
      tpu.yield
    }) : () -> ()
    %mul3A_1 = arith.constant 640 : i32
    %mul3A_2 = arith.muli %arg1, %mul3A_1 : i32
    %mul3A_3 = arith.constant 640 : i32
    %mul3A_4 = arith.muli %arg1, %mul3A_3 : i32
    "tpu.region"() ({
      %run_scoped3A = tpu.sem_alloc : memref<!tpu.dma_semaphore, #tpu.memory_space<semaphore_mem>>
      %dma_start3A_28 = arith.constant 0 : i32
      %dma_start3A_29 = tpu.memref_slice %arg12[%mul3A_4, %dma_start3A_28] : memref<10240x128xf32, #tpu.memory_space<vmem_shared>> -> memref<640x128xf32, #tpu.memory_space<vmem_shared>>
      %dma_start3A_30 = arith.constant 0 : i32
      %dma_start3A_31 = tpu.memref_slice %arg5[%mul3A_2, %dma_start3A_30] : memref<10240x128xf32, #tpu.memory_space<hbm>> -> memref<640x128xf32, #tpu.memory_space<hbm>>
      tpu.enqueue_dma source(%dma_start3A_31 : memref<640x128xf32, #tpu.memory_space<hbm>>) target(%dma_start3A_29 : memref<640x128xf32, #tpu.memory_space<vmem_shared>>) target_semaphore(%run_scoped3A : memref<!tpu.dma_semaphore, #tpu.memory_space<semaphore_mem>>)
      %dma_wait3A = arith.constant 0 : i32
      %dma_wait3A_32 = tpu.memref_slice %arg12[%mul3A_4, %dma_wait3A] : memref<10240x128xf32, #tpu.memory_space<vmem_shared>> -> memref<640x128xf32, #tpu.memory_space<vmem_shared>>
      %dma_wait3A_33 = arith.constant 0 : i32
      %dma_wait3A_34 = tpu.memref_slice %arg5[%mul3A_2, %dma_wait3A_33] : memref<10240x128xf32, #tpu.memory_space<hbm>> -> memref<640x128xf32, #tpu.memory_space<hbm>>
      tpu.wait_dma2 semaphore(%run_scoped3A : memref<!tpu.dma_semaphore, #tpu.memory_space<semaphore_mem>>) src(%dma_wait3A_34 : memref<640x128xf32, #tpu.memory_space<hbm>>) dst(%dma_wait3A_32 : memref<640x128xf32, #tpu.memory_space<vmem_shared>>)
      tpu.yield
    }) : () -> ()
    %barrier3A = arith.constant 0 : index
    tpu.barrier barrier_id(%barrier3A)
    %dma_start3A = arith.constant 0 : i32
    %dma_start3A_5 = arith.constant 0 : i32
    %dma_start3A_6 = tpu.memref_slice %arg3[%add3A, %dma_start3A, %dma_start3A_5] : memref<32x80x128xi32, #tpu.memory_space<hbm>> -> memref<1x1x128xi32, #tpu.memory_space<hbm>>
    %dma_start3A_7 = tpu.memref_squeeze %dma_start3A_6 : memref<1x1x128xi32, #tpu.memory_space<hbm>> -> memref<128xi32, #tpu.memory_space<hbm>>
    %dma_start3A_8 = arith.constant 0 : i32
    %dma_start3A_9 = tpu.memref_slice %arg3[%add3A, %dma_start3A, %dma_start3A_8] : memref<32x80x128xi32, #tpu.memory_space<hbm>> -> memref<1x1x128xi32, #tpu.memory_space<hbm>>
    %dma_start3A_10 = tpu.memref_squeeze %dma_start3A_9 : memref<1x1x128xi32, #tpu.memory_space<hbm>> -> memref<128xi32, #tpu.memory_space<hbm>>
    tpu.enqueue_dma source(%dma_start3A_10 : memref<128xi32, #tpu.memory_space<hbm>>) target(%arg8 : memref<128xi32, #tpu.memory_space<vmem>>) target_semaphore(%arg15 : memref<!tpu.dma_semaphore, #tpu.memory_space<semaphore_mem>>)
    %dma_start3A_11 = arith.constant 0 : i32
    %dma_start3A_12 = arith.constant 0 : i32
    %dma_start3A_13 = tpu.memref_slice %arg7[%dma_start3A_11, %dma_start3A_12] : memref<80x128xi32, #tpu.memory_space<vmem>> -> memref<1x128xi32, #tpu.memory_space<vmem>>
    %dma_start3A_14 = tpu.memref_squeeze %dma_start3A_13 : memref<1x128xi32, #tpu.memory_space<vmem>> -> memref<128xi32, #tpu.memory_space<vmem>>
    %dma_start3A_15 = arith.constant 0 : i32
    %dma_start3A_16 = arith.constant 0 : i32
    %dma_start3A_17 = tpu.memref_slice %arg4[%dma_start3A_15, %dma_start3A_16] : memref<10240x128xf32, #tpu.memory_space<hbm>> -> memref<10240x128xf32, #tpu.memory_space<hbm>>
    tpu.enqueue_indirect_dma source(%dma_start3A_17 : memref<10240x128xf32, #tpu.memory_space<hbm>>) target(%arg10 : memref<128x128xf32, #tpu.memory_space<vmem>>) offsets(%dma_start3A_14 : memref<128xi32, #tpu.memory_space<vmem>>) semaphore(%arg13 : memref<!tpu.dma_semaphore, #tpu.memory_space<semaphore_mem>>)
    %scan3A = arith.constant 0 : i32
    %scan3A_18 = arith.constant 0 : i32
    %scan3A_19 = arith.constant 40 : i32
    %scan3A_20 = arith.addi %scan3A_18, %scan3A_19 : i32
    %scan3A_21 = arith.constant 1 : i32
    scf.for %scan3A_28 = %scan3A_18 to %scan3A_20 step %scan3A_21  : i32 {
      %mul3A_29 = arith.constant 2 : i32
      %mul3A_30 = arith.muli %scan3A_28, %mul3A_29 : i32
      %add3A_31 = arith.constant 1 : i32
      %add3A_32 = arith.addi %mul3A_30, %add3A_31 : i32
      %dma_start3A_33 = arith.constant 0 : i32
      %dma_start3A_34 = tpu.memref_slice %arg3[%add3A, %add3A_32, %dma_start3A_33] : memref<32x80x128xi32, #tpu.memory_space<hbm>> -> memref<1x1x128xi32, #tpu.memory_space<hbm>>
      %dma_start3A_35 = tpu.memref_squeeze %dma_start3A_34 : memref<1x1x128xi32, #tpu.memory_space<hbm>> -> memref<128xi32, #tpu.memory_space<hbm>>
      %dma_start3A_36 = arith.constant 0 : i32
      %dma_start3A_37 = tpu.memref_slice %arg3[%add3A, %add3A_32, %dma_start3A_36] : memref<32x80x128xi32, #tpu.memory_space<hbm>> -> memref<1x1x128xi32, #tpu.memory_space<hbm>>
      %dma_start3A_38 = tpu.memref_squeeze %dma_start3A_37 : memref<1x1x128xi32, #tpu.memory_space<hbm>> -> memref<128xi32, #tpu.memory_space<hbm>>
      tpu.enqueue_dma source(%dma_start3A_38 : memref<128xi32, #tpu.memory_space<hbm>>) target(%arg9 : memref<128xi32, #tpu.memory_space<vmem>>) target_semaphore(%arg16 : memref<!tpu.dma_semaphore, #tpu.memory_space<semaphore_mem>>)
      %dma_start3A_39 = arith.constant 0 : i32
      %dma_start3A_40 = tpu.memref_slice %arg7[%add3A_32, %dma_start3A_39] : memref<80x128xi32, #tpu.memory_space<vmem>> -> memref<1x128xi32, #tpu.memory_space<vmem>>
      %dma_start3A_41 = tpu.memref_squeeze %dma_start3A_40 : memref<1x128xi32, #tpu.memory_space<vmem>> -> memref<128xi32, #tpu.memory_space<vmem>>
      %dma_start3A_42 = arith.constant 0 : i32
      %dma_start3A_43 = arith.constant 0 : i32
      %dma_start3A_44 = tpu.memref_slice %arg4[%dma_start3A_42, %dma_start3A_43] : memref<10240x128xf32, #tpu.memory_space<hbm>> -> memref<10240x128xf32, #tpu.memory_space<hbm>>
      tpu.enqueue_indirect_dma source(%dma_start3A_44 : memref<10240x128xf32, #tpu.memory_space<hbm>>) target(%arg11 : memref<128x128xf32, #tpu.memory_space<vmem>>) offsets(%dma_start3A_41 : memref<128xi32, #tpu.memory_space<vmem>>) semaphore(%arg14 : memref<!tpu.dma_semaphore, #tpu.memory_space<semaphore_mem>>)
      %dma_wait3A = arith.constant 0 : i32
      %dma_wait3A_45 = tpu.memref_slice %arg3[%add3A, %mul3A_30, %dma_wait3A] : memref<32x80x128xi32, #tpu.memory_space<hbm>> -> memref<1x1x128xi32, #tpu.memory_space<hbm>>
      %dma_wait3A_46 = tpu.memref_squeeze %dma_wait3A_45 : memref<1x1x128xi32, #tpu.memory_space<hbm>> -> memref<128xi32, #tpu.memory_space<hbm>>
      %dma_wait3A_47 = arith.constant 0 : i32
      %dma_wait3A_48 = tpu.memref_slice %arg3[%add3A, %mul3A_30, %dma_wait3A_47] : memref<32x80x128xi32, #tpu.memory_space<hbm>> -> memref<1x1x128xi32, #tpu.memory_space<hbm>>
      %dma_wait3A_49 = tpu.memref_squeeze %dma_wait3A_48 : memref<1x1x128xi32, #tpu.memory_space<hbm>> -> memref<128xi32, #tpu.memory_space<hbm>>
      tpu.wait_dma2 semaphore(%arg15 : memref<!tpu.dma_semaphore, #tpu.memory_space<semaphore_mem>>) src(%dma_wait3A_49 : memref<128xi32, #tpu.memory_space<hbm>>) dst(%arg8 : memref<128xi32, #tpu.memory_space<vmem>>)
      %dma_wait3A_50 = arith.constant 0 : i32
      %dma_wait3A_51 = tpu.memref_slice %arg7[%mul3A_30, %dma_wait3A_50] : memref<80x128xi32, #tpu.memory_space<vmem>> -> memref<1x128xi32, #tpu.memory_space<vmem>>
      %dma_wait3A_52 = tpu.memref_squeeze %dma_wait3A_51 : memref<1x128xi32, #tpu.memory_space<vmem>> -> memref<128xi32, #tpu.memory_space<vmem>>
      %dma_wait3A_53 = arith.constant 0 : i32
      %dma_wait3A_54 = arith.constant 0 : i32
      %dma_wait3A_55 = tpu.memref_slice %arg4[%dma_wait3A_53, %dma_wait3A_54] : memref<10240x128xf32, #tpu.memory_space<hbm>> -> memref<10240x128xf32, #tpu.memory_space<hbm>>
      tpu.wait_indirect_dma semaphore(%arg13 : memref<!tpu.dma_semaphore, #tpu.memory_space<semaphore_mem>>) src(%dma_wait3A_55 : memref<10240x128xf32, #tpu.memory_space<hbm>>) dst(%arg10 : memref<128x128xf32, #tpu.memory_space<vmem>>)
      "tpu.region"() ({
        %run_scoped3A = tpu.sem_alloc : memref<!tpu.dma_semaphore, #tpu.memory_space<semaphore_mem>>
        %dma_start3A_74 = arith.constant 0 : i32
        %dma_start3A_75 = arith.constant 0 : i32
        %dma_start3A_76 = tpu.memref_slice %arg12[%dma_start3A_74, %dma_start3A_75] : memref<10240x128xf32, #tpu.memory_space<vmem_shared>> -> memref<10240x128xf32, #tpu.memory_space<vmem_shared>>
        tpu.enqueue_indirect_dma source(%arg10 : memref<128x128xf32, #tpu.memory_space<vmem>>) target(%dma_start3A_76 : memref<10240x128xf32, #tpu.memory_space<vmem_shared>>) offsets(%arg8 : memref<128xi32, #tpu.memory_space<vmem>>) semaphore(%run_scoped3A : memref<!tpu.dma_semaphore, #tpu.memory_space<semaphore_mem>>) {add = true}
        %dma_wait3A_77 = arith.constant 0 : i32
        %dma_wait3A_78 = arith.constant 0 : i32
        %dma_wait3A_79 = tpu.memref_slice %arg12[%dma_wait3A_77, %dma_wait3A_78] : memref<10240x128xf32, #tpu.memory_space<vmem_shared>> -> memref<10240x128xf32, #tpu.memory_space<vmem_shared>>
        tpu.wait_indirect_dma semaphore(%run_scoped3A : memref<!tpu.dma_semaphore, #tpu.memory_space<semaphore_mem>>) src(%arg10 : memref<128x128xf32, #tpu.memory_space<vmem>>) dst(%dma_wait3A_79 : memref<10240x128xf32, #tpu.memory_space<vmem_shared>>)
        tpu.yield
      }) : () -> ()
      %add3A_56 = arith.constant 2 : i32
      %add3A_57 = arith.addi %mul3A_30, %add3A_56 : i32
      %lt3A = arith.constant 80 : i32
      %lt3A_58 = arith.cmpi slt, %add3A_57, %lt3A : i32
      %convert_element_type3A = arith.extui %lt3A_58 : i1 to i32
      %cond3A = arith.constant 0 : i32
      %cond3A_59 = arith.cmpi ne, %convert_element_type3A, %cond3A : i32
      scf.if %cond3A_59 {
        %add3A_74 = arith.constant 2 : i32
        %add3A_75 = arith.addi %mul3A_30, %add3A_74 : i32
        %dma_start3A_76 = arith.constant 0 : i32
        %dma_start3A_77 = tpu.memref_slice %arg3[%add3A, %add3A_75, %dma_start3A_76] : memref<32x80x128xi32, #tpu.memory_space<hbm>> -> memref<1x1x128xi32, #tpu.memory_space<hbm>>
        %dma_start3A_78 = tpu.memref_squeeze %dma_start3A_77 : memref<1x1x128xi32, #tpu.memory_space<hbm>> -> memref<128xi32, #tpu.memory_space<hbm>>
        %dma_start3A_79 = arith.constant 0 : i32
        %dma_start3A_80 = tpu.memref_slice %arg3[%add3A, %add3A_75, %dma_start3A_79] : memref<32x80x128xi32, #tpu.memory_space<hbm>> -> memref<1x1x128xi32, #tpu.memory_space<hbm>>
        %dma_start3A_81 = tpu.memref_squeeze %dma_start3A_80 : memref<1x1x128xi32, #tpu.memory_space<hbm>> -> memref<128xi32, #tpu.memory_space<hbm>>
        tpu.enqueue_dma source(%dma_start3A_81 : memref<128xi32, #tpu.memory_space<hbm>>) target(%arg8 : memref<128xi32, #tpu.memory_space<vmem>>) target_semaphore(%arg15 : memref<!tpu.dma_semaphore, #tpu.memory_space<semaphore_mem>>)
        %dma_start3A_82 = arith.constant 0 : i32
        %dma_start3A_83 = tpu.memref_slice %arg7[%add3A_75, %dma_start3A_82] : memref<80x128xi32, #tpu.memory_space<vmem>> -> memref<1x128xi32, #tpu.memory_space<vmem>>
        %dma_start3A_84 = tpu.memref_squeeze %dma_start3A_83 : memref<1x128xi32, #tpu.memory_space<vmem>> -> memref<128xi32, #tpu.memory_space<vmem>>
        %dma_start3A_85 = arith.constant 0 : i32
        %dma_start3A_86 = arith.constant 0 : i32
        %dma_start3A_87 = tpu.memref_slice %arg4[%dma_start3A_85, %dma_start3A_86] : memref<10240x128xf32, #tpu.memory_space<hbm>> -> memref<10240x128xf32, #tpu.memory_space<hbm>>
        tpu.enqueue_indirect_dma source(%dma_start3A_87 : memref<10240x128xf32, #tpu.memory_space<hbm>>) target(%arg10 : memref<128x128xf32, #tpu.memory_space<vmem>>) offsets(%dma_start3A_84 : memref<128xi32, #tpu.memory_space<vmem>>) semaphore(%arg13 : memref<!tpu.dma_semaphore, #tpu.memory_space<semaphore_mem>>)
      } else {
      }
      %add3A_60 = arith.constant 1 : i32
      %add3A_61 = arith.addi %mul3A_30, %add3A_60 : i32
      %dma_wait3A_62 = arith.constant 0 : i32
      %dma_wait3A_63 = tpu.memref_slice %arg3[%add3A, %add3A_61, %dma_wait3A_62] : memref<32x80x128xi32, #tpu.memory_space<hbm>> -> memref<1x1x128xi32, #tpu.memory_space<hbm>>
      %dma_wait3A_64 = tpu.memref_squeeze %dma_wait3A_63 : memref<1x1x128xi32, #tpu.memory_space<hbm>> -> memref<128xi32, #tpu.memory_space<hbm>>
      %dma_wait3A_65 = arith.constant 0 : i32
      %dma_wait3A_66 = tpu.memref_slice %arg3[%add3A, %add3A_61, %dma_wait3A_65] : memref<32x80x128xi32, #tpu.memory_space<hbm>> -> memref<1x1x128xi32, #tpu.memory_space<hbm>>
      %dma_wait3A_67 = tpu.memref_squeeze %dma_wait3A_66 : memref<1x1x128xi32, #tpu.memory_space<hbm>> -> memref<128xi32, #tpu.memory_space<hbm>>
      tpu.wait_dma2 semaphore(%arg16 : memref<!tpu.dma_semaphore, #tpu.memory_space<semaphore_mem>>) src(%dma_wait3A_67 : memref<128xi32, #tpu.memory_space<hbm>>) dst(%arg9 : memref<128xi32, #tpu.memory_space<vmem>>)
      %dma_wait3A_68 = arith.constant 0 : i32
      %dma_wait3A_69 = tpu.memref_slice %arg7[%add3A_61, %dma_wait3A_68] : memref<80x128xi32, #tpu.memory_space<vmem>> -> memref<1x128xi32, #tpu.memory_space<vmem>>
      %dma_wait3A_70 = tpu.memref_squeeze %dma_wait3A_69 : memref<1x128xi32, #tpu.memory_space<vmem>> -> memref<128xi32, #tpu.memory_space<vmem>>
      %dma_wait3A_71 = arith.constant 0 : i32
      %dma_wait3A_72 = arith.constant 0 : i32
      %dma_wait3A_73 = tpu.memref_slice %arg4[%dma_wait3A_71, %dma_wait3A_72] : memref<10240x128xf32, #tpu.memory_space<hbm>> -> memref<10240x128xf32, #tpu.memory_space<hbm>>
      tpu.wait_indirect_dma semaphore(%arg14 : memref<!tpu.dma_semaphore, #tpu.memory_space<semaphore_mem>>) src(%dma_wait3A_73 : memref<10240x128xf32, #tpu.memory_space<hbm>>) dst(%arg11 : memref<128x128xf32, #tpu.memory_space<vmem>>)
      "tpu.region"() ({
        %run_scoped3A = tpu.sem_alloc : memref<!tpu.dma_semaphore, #tpu.memory_space<semaphore_mem>>
        %dma_start3A_74 = arith.constant 0 : i32
        %dma_start3A_75 = arith.constant 0 : i32
        %dma_start3A_76 = tpu.memref_slice %arg12[%dma_start3A_74, %dma_start3A_75] : memref<10240x128xf32, #tpu.memory_space<vmem_shared>> -> memref<10240x128xf32, #tpu.memory_space<vmem_shared>>
        tpu.enqueue_indirect_dma source(%arg11 : memref<128x128xf32, #tpu.memory_space<vmem>>) target(%dma_start3A_76 : memref<10240x128xf32, #tpu.memory_space<vmem_shared>>) offsets(%arg9 : memref<128xi32, #tpu.memory_space<vmem>>) semaphore(%run_scoped3A : memref<!tpu.dma_semaphore, #tpu.memory_space<semaphore_mem>>) {add = true}
        %dma_wait3A_77 = arith.constant 0 : i32
        %dma_wait3A_78 = arith.constant 0 : i32
        %dma_wait3A_79 = tpu.memref_slice %arg12[%dma_wait3A_77, %dma_wait3A_78] : memref<10240x128xf32, #tpu.memory_space<vmem_shared>> -> memref<10240x128xf32, #tpu.memory_space<vmem_shared>>
        tpu.wait_indirect_dma semaphore(%run_scoped3A : memref<!tpu.dma_semaphore, #tpu.memory_space<semaphore_mem>>) src(%arg11 : memref<128x128xf32, #tpu.memory_space<vmem>>) dst(%dma_wait3A_79 : memref<10240x128xf32, #tpu.memory_space<vmem_shared>>)
        tpu.yield
      }) : () -> ()
    }
    %scan3A_22 = arith.constant 40 : i32
    %barrier3A_23 = arith.constant 0 : index
    tpu.barrier barrier_id(%barrier3A_23)
    %mul3A_24 = arith.constant 640 : i32
    %mul3A_25 = arith.muli %arg1, %mul3A_24 : i32
    %mul3A_26 = arith.constant 640 : i32
    %mul3A_27 = arith.muli %arg1, %mul3A_26 : i32
    "tpu.region"() ({
      %run_scoped3A = tpu.sem_alloc : memref<!tpu.dma_semaphore, #tpu.memory_space<semaphore_mem>>
      %dma_start3A_28 = arith.constant 0 : i32
      %dma_start3A_29 = tpu.memref_slice %arg6[%arg0, %mul3A_27, %dma_start3A_28] : memref<2x10240x128xf32, #tpu.memory_space<hbm>> -> memref<1x640x128xf32, #tpu.memory_space<hbm>>
      %dma_start3A_30 = tpu.memref_squeeze %dma_start3A_29 : memref<1x640x128xf32, #tpu.memory_space<hbm>> -> memref<640x128xf32, #tpu.memory_space<hbm>>
      %dma_start3A_31 = arith.constant 0 : i32
      %dma_start3A_32 = tpu.memref_slice %arg12[%mul3A_25, %dma_start3A_31] : memref<10240x128xf32, #tpu.memory_space<vmem_shared>> -> memref<640x128xf32, #tpu.memory_space<vmem_shared>>
      tpu.enqueue_dma source(%dma_start3A_32 : memref<640x128xf32, #tpu.memory_space<vmem_shared>>) target(%dma_start3A_30 : memref<640x128xf32, #tpu.memory_space<hbm>>) target_semaphore(%run_scoped3A : memref<!tpu.dma_semaphore, #tpu.memory_space<semaphore_mem>>)
      %dma_wait3A = arith.constant 0 : i32
      %dma_wait3A_33 = tpu.memref_slice %arg6[%arg0, %mul3A_27, %dma_wait3A] : memref<2x10240x128xf32, #tpu.memory_space<hbm>> -> memref<1x640x128xf32, #tpu.memory_space<hbm>>
      %dma_wait3A_34 = tpu.memref_squeeze %dma_wait3A_33 : memref<1x640x128xf32, #tpu.memory_space<hbm>> -> memref<640x128xf32, #tpu.memory_space<hbm>>
      %dma_wait3A_35 = arith.constant 0 : i32
      %dma_wait3A_36 = tpu.memref_slice %arg12[%mul3A_25, %dma_wait3A_35] : memref<10240x128xf32, #tpu.memory_space<vmem_shared>> -> memref<640x128xf32, #tpu.memory_space<vmem_shared>>
      tpu.wait_dma2 semaphore(%run_scoped3A : memref<!tpu.dma_semaphore, #tpu.memory_space<semaphore_mem>>) src(%dma_wait3A_36 : memref<640x128xf32, #tpu.memory_space<vmem_shared>>) dst(%dma_wait3A_34 : memref<640x128xf32, #tpu.memory_space<hbm>>)
      tpu.yield
    }) : () -> ()
    return
  }
}

#map = affine_map<(d0, d1) -> (0, 0, 0)>
#map1 = affine_map<(d0, d1) -> (0, 0)>
module attributes {stable_mosaic.version = 14 : i64} {
  func.func @_agg_pass(%arg0: i32, %arg1: i32, %arg2: memref<32x80x128xi32, #tpu.memory_space<hbm>>, %arg3: memref<32x80x128xi32, #tpu.memory_space<hbm>>, %arg4: memref<10240x128xf32, #tpu.memory_space<hbm>>, %arg5: memref<10240x128xf32, #tpu.memory_space<hbm>>, %arg6: memref<2x10240x128xf32, #tpu.memory_space<hbm>>, %arg7: memref<80x128xi32, #tpu.memory_space<vmem>>, %arg8: memref<128xi32, #tpu.memory_space<vmem>>, %arg9: memref<128xi32, #tpu.memory_space<vmem>>, %arg10: memref<128x128xf32, #tpu.memory_space<vmem>>, %arg11: memref<128x128xf32, #tpu.memory_space<vmem>>, %arg12: memref<10240x128xf32, #tpu.memory_space<vmem_shared>>, %arg13: memref<!tpu.dma_semaphore, #tpu.memory_space<semaphore_mem>>, %arg14: memref<!tpu.dma_semaphore, #tpu.memory_space<semaphore_mem>>, %arg15: memref<!tpu.dma_semaphore, #tpu.memory_space<semaphore_mem>>, %arg16: memref<!tpu.dma_semaphore, #tpu.memory_space<semaphore_mem>>) attributes {dimension_semantics = [#tpu.dimension_semantics<core_parallel>, #tpu.dimension_semantics<subcore_parallel>], iteration_bounds = array<i64: 2, 16>, scalar_prefetch = 0 : i64, scratch_operands = 10 : i64, tpu.core_type = #tpu.core_type<sc_vector_subcore>, window_params = [{transform_indices = #map}, {transform_indices = #map}, {transform_indices = #map1}, {transform_indices = #map1}, {transform_indices = #map}]} {
    %mul3A = arith.constant 2 : i32
    %mul3A_0 = arith.muli %arg1, %mul3A : i32
    %add3A = arith.addi %mul3A_0, %arg0 : i32
    "tpu.region"() ({
      %run_scoped3A = tpu.sem_alloc : memref<!tpu.dma_semaphore, #tpu.memory_space<semaphore_mem>>
      %dma_start3A_28 = arith.constant 0 : i32
      %dma_start3A_29 = arith.constant 0 : i32
      %dma_start3A_30 = tpu.memref_slice %arg2[%add3A, %dma_start3A_28, %dma_start3A_29] : memref<32x80x128xi32, #tpu.memory_space<hbm>> -> memref<1x80x128xi32, #tpu.memory_space<hbm>>
      %dma_start3A_31 = tpu.memref_squeeze %dma_start3A_30 : memref<1x80x128xi32, #tpu.memory_space<hbm>> -> memref<80x128xi32, #tpu.memory_space<hbm>>
      %dma_start3A_32 = arith.constant 0 : i32
      %dma_start3A_33 = arith.constant 0 : i32
      %dma_start3A_34 = tpu.memref_slice %arg2[%add3A, %dma_start3A_32, %dma_start3A_33] : memref<32x80x128xi32, #tpu.memory_space<hbm>> -> memref<1x80x128xi32, #tpu.memory_space<hbm>>
      %dma_start3A_35 = tpu.memref_squeeze %dma_start3A_34 : memref<1x80x128xi32, #tpu.memory_space<hbm>> -> memref<80x128xi32, #tpu.memory_space<hbm>>
      tpu.enqueue_dma source(%dma_start3A_35 : memref<80x128xi32, #tpu.memory_space<hbm>>) target(%arg7 : memref<80x128xi32, #tpu.memory_space<vmem>>) target_semaphore(%run_scoped3A : memref<!tpu.dma_semaphore, #tpu.memory_space<semaphore_mem>>)
      %dma_wait3A = arith.constant 0 : i32
      %dma_wait3A_36 = arith.constant 0 : i32
      %dma_wait3A_37 = tpu.memref_slice %arg2[%add3A, %dma_wait3A, %dma_wait3A_36] : memref<32x80x128xi32, #tpu.memory_space<hbm>> -> memref<1x80x128xi32, #tpu.memory_space<hbm>>
      %dma_wait3A_38 = tpu.memref_squeeze %dma_wait3A_37 : memref<1x80x128xi32, #tpu.memory_space<hbm>> -> memref<80x128xi32, #tpu.memory_space<hbm>>
      %dma_wait3A_39 = arith.constant 0 : i32
      %dma_wait3A_40 = arith.constant 0 : i32
      %dma_wait3A_41 = tpu.memref_slice %arg2[%add3A, %dma_wait3A_39, %dma_wait3A_40] : memref<32x80x128xi32, #tpu.memory_space<hbm>> -> memref<1x80x128xi32, #tpu.memory_space<hbm>>
      %dma_wait3A_42 = tpu.memref_squeeze %dma_wait3A_41 : memref<1x80x128xi32, #tpu.memory_space<hbm>> -> memref<80x128xi32, #tpu.memory_space<hbm>>
      tpu.wait_dma2 semaphore(%run_scoped3A : memref<!tpu.dma_semaphore, #tpu.memory_space<semaphore_mem>>) src(%dma_wait3A_42 : memref<80x128xi32, #tpu.memory_space<hbm>>) dst(%arg7 : memref<80x128xi32, #tpu.memory_space<vmem>>)
      tpu.yield
    }) : () -> ()
    %mul3A_1 = arith.constant 640 : i32
    %mul3A_2 = arith.muli %arg1, %mul3A_1 : i32
    %mul3A_3 = arith.constant 640 : i32
    %mul3A_4 = arith.muli %arg1, %mul3A_3 : i32
    "tpu.region"() ({
      %run_scoped3A = tpu.sem_alloc : memref<!tpu.dma_semaphore, #tpu.memory_space<semaphore_mem>>
      %dma_start3A_28 = arith.constant 0 : i32
      %dma_start3A_29 = tpu.memref_slice %arg12[%mul3A_4, %dma_start3A_28] : memref<10240x128xf32, #tpu.memory_space<vmem_shared>> -> memref<640x128xf32, #tpu.memory_space<vmem_shared>>
      %dma_start3A_30 = arith.constant 0 : i32
      %dma_start3A_31 = tpu.memref_slice %arg5[%mul3A_2, %dma_start3A_30] : memref<10240x128xf32, #tpu.memory_space<hbm>> -> memref<640x128xf32, #tpu.memory_space<hbm>>
      tpu.enqueue_dma source(%dma_start3A_31 : memref<640x128xf32, #tpu.memory_space<hbm>>) target(%dma_start3A_29 : memref<640x128xf32, #tpu.memory_space<vmem_shared>>) target_semaphore(%run_scoped3A : memref<!tpu.dma_semaphore, #tpu.memory_space<semaphore_mem>>)
      %dma_wait3A = arith.constant 0 : i32
      %dma_wait3A_32 = tpu.memref_slice %arg12[%mul3A_4, %dma_wait3A] : memref<10240x128xf32, #tpu.memory_space<vmem_shared>> -> memref<640x128xf32, #tpu.memory_space<vmem_shared>>
      %dma_wait3A_33 = arith.constant 0 : i32
      %dma_wait3A_34 = tpu.memref_slice %arg5[%mul3A_2, %dma_wait3A_33] : memref<10240x128xf32, #tpu.memory_space<hbm>> -> memref<640x128xf32, #tpu.memory_space<hbm>>
      tpu.wait_dma2 semaphore(%run_scoped3A : memref<!tpu.dma_semaphore, #tpu.memory_space<semaphore_mem>>) src(%dma_wait3A_34 : memref<640x128xf32, #tpu.memory_space<hbm>>) dst(%dma_wait3A_32 : memref<640x128xf32, #tpu.memory_space<vmem_shared>>)
      tpu.yield
    }) : () -> ()
    %barrier3A = arith.constant 0 : index
    tpu.barrier barrier_id(%barrier3A)
    %dma_start3A = arith.constant 0 : i32
    %dma_start3A_5 = arith.constant 0 : i32
    %dma_start3A_6 = tpu.memref_slice %arg3[%add3A, %dma_start3A, %dma_start3A_5] : memref<32x80x128xi32, #tpu.memory_space<hbm>> -> memref<1x1x128xi32, #tpu.memory_space<hbm>>
    %dma_start3A_7 = tpu.memref_squeeze %dma_start3A_6 : memref<1x1x128xi32, #tpu.memory_space<hbm>> -> memref<128xi32, #tpu.memory_space<hbm>>
    %dma_start3A_8 = arith.constant 0 : i32
    %dma_start3A_9 = tpu.memref_slice %arg3[%add3A, %dma_start3A, %dma_start3A_8] : memref<32x80x128xi32, #tpu.memory_space<hbm>> -> memref<1x1x128xi32, #tpu.memory_space<hbm>>
    %dma_start3A_10 = tpu.memref_squeeze %dma_start3A_9 : memref<1x1x128xi32, #tpu.memory_space<hbm>> -> memref<128xi32, #tpu.memory_space<hbm>>
    tpu.enqueue_dma source(%dma_start3A_10 : memref<128xi32, #tpu.memory_space<hbm>>) target(%arg8 : memref<128xi32, #tpu.memory_space<vmem>>) target_semaphore(%arg15 : memref<!tpu.dma_semaphore, #tpu.memory_space<semaphore_mem>>)
    %dma_start3A_11 = arith.constant 0 : i32
    %dma_start3A_12 = arith.constant 0 : i32
    %dma_start3A_13 = tpu.memref_slice %arg7[%dma_start3A_11, %dma_start3A_12] : memref<80x128xi32, #tpu.memory_space<vmem>> -> memref<1x128xi32, #tpu.memory_space<vmem>>
    %dma_start3A_14 = tpu.memref_squeeze %dma_start3A_13 : memref<1x128xi32, #tpu.memory_space<vmem>> -> memref<128xi32, #tpu.memory_space<vmem>>
    %dma_start3A_15 = arith.constant 0 : i32
    %dma_start3A_16 = arith.constant 0 : i32
    %dma_start3A_17 = tpu.memref_slice %arg4[%dma_start3A_15, %dma_start3A_16] : memref<10240x128xf32, #tpu.memory_space<hbm>> -> memref<10240x128xf32, #tpu.memory_space<hbm>>
    tpu.enqueue_indirect_dma source(%dma_start3A_17 : memref<10240x128xf32, #tpu.memory_space<hbm>>) target(%arg10 : memref<128x128xf32, #tpu.memory_space<vmem>>) offsets(%dma_start3A_14 : memref<128xi32, #tpu.memory_space<vmem>>) semaphore(%arg13 : memref<!tpu.dma_semaphore, #tpu.memory_space<semaphore_mem>>)
    %scan3A = arith.constant 0 : i32
    %scan3A_18 = arith.constant 0 : i32
    %scan3A_19 = arith.constant 40 : i32
    %scan3A_20 = arith.addi %scan3A_18, %scan3A_19 : i32
    %scan3A_21 = arith.constant 1 : i32
    scf.for %scan3A_28 = %scan3A_18 to %scan3A_20 step %scan3A_21  : i32 {
      %mul3A_29 = arith.constant 2 : i32
      %mul3A_30 = arith.muli %scan3A_28, %mul3A_29 : i32
      %add3A_31 = arith.constant 1 : i32
      %add3A_32 = arith.addi %mul3A_30, %add3A_31 : i32
      %dma_start3A_33 = arith.constant 0 : i32
      %dma_start3A_34 = tpu.memref_slice %arg3[%add3A, %add3A_32, %dma_start3A_33] : memref<32x80x128xi32, #tpu.memory_space<hbm>> -> memref<1x1x128xi32, #tpu.memory_space<hbm>>
      %dma_start3A_35 = tpu.memref_squeeze %dma_start3A_34 : memref<1x1x128xi32, #tpu.memory_space<hbm>> -> memref<128xi32, #tpu.memory_space<hbm>>
      %dma_start3A_36 = arith.constant 0 : i32
      %dma_start3A_37 = tpu.memref_slice %arg3[%add3A, %add3A_32, %dma_start3A_36] : memref<32x80x128xi32, #tpu.memory_space<hbm>> -> memref<1x1x128xi32, #tpu.memory_space<hbm>>
      %dma_start3A_38 = tpu.memref_squeeze %dma_start3A_37 : memref<1x1x128xi32, #tpu.memory_space<hbm>> -> memref<128xi32, #tpu.memory_space<hbm>>
      tpu.enqueue_dma source(%dma_start3A_38 : memref<128xi32, #tpu.memory_space<hbm>>) target(%arg9 : memref<128xi32, #tpu.memory_space<vmem>>) target_semaphore(%arg16 : memref<!tpu.dma_semaphore, #tpu.memory_space<semaphore_mem>>)
      %dma_start3A_39 = arith.constant 0 : i32
      %dma_start3A_40 = tpu.memref_slice %arg7[%add3A_32, %dma_start3A_39] : memref<80x128xi32, #tpu.memory_space<vmem>> -> memref<1x128xi32, #tpu.memory_space<vmem>>
      %dma_start3A_41 = tpu.memref_squeeze %dma_start3A_40 : memref<1x128xi32, #tpu.memory_space<vmem>> -> memref<128xi32, #tpu.memory_space<vmem>>
      %dma_start3A_42 = arith.constant 0 : i32
      %dma_start3A_43 = arith.constant 0 : i32
      %dma_start3A_44 = tpu.memref_slice %arg4[%dma_start3A_42, %dma_start3A_43] : memref<10240x128xf32, #tpu.memory_space<hbm>> -> memref<10240x128xf32, #tpu.memory_space<hbm>>
      tpu.enqueue_indirect_dma source(%dma_start3A_44 : memref<10240x128xf32, #tpu.memory_space<hbm>>) target(%arg11 : memref<128x128xf32, #tpu.memory_space<vmem>>) offsets(%dma_start3A_41 : memref<128xi32, #tpu.memory_space<vmem>>) semaphore(%arg14 : memref<!tpu.dma_semaphore, #tpu.memory_space<semaphore_mem>>)
      %dma_wait3A = arith.constant 0 : i32
      %dma_wait3A_45 = tpu.memref_slice %arg3[%add3A, %mul3A_30, %dma_wait3A] : memref<32x80x128xi32, #tpu.memory_space<hbm>> -> memref<1x1x128xi32, #tpu.memory_space<hbm>>
      %dma_wait3A_46 = tpu.memref_squeeze %dma_wait3A_45 : memref<1x1x128xi32, #tpu.memory_space<hbm>> -> memref<128xi32, #tpu.memory_space<hbm>>
      %dma_wait3A_47 = arith.constant 0 : i32
      %dma_wait3A_48 = tpu.memref_slice %arg3[%add3A, %mul3A_30, %dma_wait3A_47] : memref<32x80x128xi32, #tpu.memory_space<hbm>> -> memref<1x1x128xi32, #tpu.memory_space<hbm>>
      %dma_wait3A_49 = tpu.memref_squeeze %dma_wait3A_48 : memref<1x1x128xi32, #tpu.memory_space<hbm>> -> memref<128xi32, #tpu.memory_space<hbm>>
      tpu.wait_dma2 semaphore(%arg15 : memref<!tpu.dma_semaphore, #tpu.memory_space<semaphore_mem>>) src(%dma_wait3A_49 : memref<128xi32, #tpu.memory_space<hbm>>) dst(%arg8 : memref<128xi32, #tpu.memory_space<vmem>>)
      %dma_wait3A_50 = arith.constant 0 : i32
      %dma_wait3A_51 = tpu.memref_slice %arg7[%mul3A_30, %dma_wait3A_50] : memref<80x128xi32, #tpu.memory_space<vmem>> -> memref<1x128xi32, #tpu.memory_space<vmem>>
      %dma_wait3A_52 = tpu.memref_squeeze %dma_wait3A_51 : memref<1x128xi32, #tpu.memory_space<vmem>> -> memref<128xi32, #tpu.memory_space<vmem>>
      %dma_wait3A_53 = arith.constant 0 : i32
      %dma_wait3A_54 = arith.constant 0 : i32
      %dma_wait3A_55 = tpu.memref_slice %arg4[%dma_wait3A_53, %dma_wait3A_54] : memref<10240x128xf32, #tpu.memory_space<hbm>> -> memref<10240x128xf32, #tpu.memory_space<hbm>>
      tpu.wait_indirect_dma semaphore(%arg13 : memref<!tpu.dma_semaphore, #tpu.memory_space<semaphore_mem>>) src(%dma_wait3A_55 : memref<10240x128xf32, #tpu.memory_space<hbm>>) dst(%arg10 : memref<128x128xf32, #tpu.memory_space<vmem>>)
      "tpu.region"() ({
        %run_scoped3A = tpu.sem_alloc : memref<!tpu.dma_semaphore, #tpu.memory_space<semaphore_mem>>
        %dma_start3A_74 = arith.constant 0 : i32
        %dma_start3A_75 = arith.constant 0 : i32
        %dma_start3A_76 = tpu.memref_slice %arg12[%dma_start3A_74, %dma_start3A_75] : memref<10240x128xf32, #tpu.memory_space<vmem_shared>> -> memref<10240x128xf32, #tpu.memory_space<vmem_shared>>
        tpu.enqueue_indirect_dma source(%arg10 : memref<128x128xf32, #tpu.memory_space<vmem>>) target(%dma_start3A_76 : memref<10240x128xf32, #tpu.memory_space<vmem_shared>>) offsets(%arg8 : memref<128xi32, #tpu.memory_space<vmem>>) semaphore(%run_scoped3A : memref<!tpu.dma_semaphore, #tpu.memory_space<semaphore_mem>>) {add = true}
        %dma_wait3A_77 = arith.constant 0 : i32
        %dma_wait3A_78 = arith.constant 0 : i32
        %dma_wait3A_79 = tpu.memref_slice %arg12[%dma_wait3A_77, %dma_wait3A_78] : memref<10240x128xf32, #tpu.memory_space<vmem_shared>> -> memref<10240x128xf32, #tpu.memory_space<vmem_shared>>
        tpu.wait_indirect_dma semaphore(%run_scoped3A : memref<!tpu.dma_semaphore, #tpu.memory_space<semaphore_mem>>) src(%arg10 : memref<128x128xf32, #tpu.memory_space<vmem>>) dst(%dma_wait3A_79 : memref<10240x128xf32, #tpu.memory_space<vmem_shared>>)
        tpu.yield
      }) : () -> ()
      %add3A_56 = arith.constant 2 : i32
      %add3A_57 = arith.addi %mul3A_30, %add3A_56 : i32
      %lt3A = arith.constant 80 : i32
      %lt3A_58 = arith.cmpi slt, %add3A_57, %lt3A : i32
      %convert_element_type3A = arith.extui %lt3A_58 : i1 to i32
      %cond3A = arith.constant 0 : i32
      %cond3A_59 = arith.cmpi ne, %convert_element_type3A, %cond3A : i32
      scf.if %cond3A_59 {
        %add3A_74 = arith.constant 2 : i32
        %add3A_75 = arith.addi %mul3A_30, %add3A_74 : i32
        %dma_start3A_76 = arith.constant 0 : i32
        %dma_start3A_77 = tpu.memref_slice %arg3[%add3A, %add3A_75, %dma_start3A_76] : memref<32x80x128xi32, #tpu.memory_space<hbm>> -> memref<1x1x128xi32, #tpu.memory_space<hbm>>
        %dma_start3A_78 = tpu.memref_squeeze %dma_start3A_77 : memref<1x1x128xi32, #tpu.memory_space<hbm>> -> memref<128xi32, #tpu.memory_space<hbm>>
        %dma_start3A_79 = arith.constant 0 : i32
        %dma_start3A_80 = tpu.memref_slice %arg3[%add3A, %add3A_75, %dma_start3A_79] : memref<32x80x128xi32, #tpu.memory_space<hbm>> -> memref<1x1x128xi32, #tpu.memory_space<hbm>>
        %dma_start3A_81 = tpu.memref_squeeze %dma_start3A_80 : memref<1x1x128xi32, #tpu.memory_space<hbm>> -> memref<128xi32, #tpu.memory_space<hbm>>
        tpu.enqueue_dma source(%dma_start3A_81 : memref<128xi32, #tpu.memory_space<hbm>>) target(%arg8 : memref<128xi32, #tpu.memory_space<vmem>>) target_semaphore(%arg15 : memref<!tpu.dma_semaphore, #tpu.memory_space<semaphore_mem>>)
        %dma_start3A_82 = arith.constant 0 : i32
        %dma_start3A_83 = tpu.memref_slice %arg7[%add3A_75, %dma_start3A_82] : memref<80x128xi32, #tpu.memory_space<vmem>> -> memref<1x128xi32, #tpu.memory_space<vmem>>
        %dma_start3A_84 = tpu.memref_squeeze %dma_start3A_83 : memref<1x128xi32, #tpu.memory_space<vmem>> -> memref<128xi32, #tpu.memory_space<vmem>>
        %dma_start3A_85 = arith.constant 0 : i32
        %dma_start3A_86 = arith.constant 0 : i32
        %dma_start3A_87 = tpu.memref_slice %arg4[%dma_start3A_85, %dma_start3A_86] : memref<10240x128xf32, #tpu.memory_space<hbm>> -> memref<10240x128xf32, #tpu.memory_space<hbm>>
        tpu.enqueue_indirect_dma source(%dma_start3A_87 : memref<10240x128xf32, #tpu.memory_space<hbm>>) target(%arg10 : memref<128x128xf32, #tpu.memory_space<vmem>>) offsets(%dma_start3A_84 : memref<128xi32, #tpu.memory_space<vmem>>) semaphore(%arg13 : memref<!tpu.dma_semaphore, #tpu.memory_space<semaphore_mem>>)
      } else {
      }
      %add3A_60 = arith.constant 1 : i32
      %add3A_61 = arith.addi %mul3A_30, %add3A_60 : i32
      %dma_wait3A_62 = arith.constant 0 : i32
      %dma_wait3A_63 = tpu.memref_slice %arg3[%add3A, %add3A_61, %dma_wait3A_62] : memref<32x80x128xi32, #tpu.memory_space<hbm>> -> memref<1x1x128xi32, #tpu.memory_space<hbm>>
      %dma_wait3A_64 = tpu.memref_squeeze %dma_wait3A_63 : memref<1x1x128xi32, #tpu.memory_space<hbm>> -> memref<128xi32, #tpu.memory_space<hbm>>
      %dma_wait3A_65 = arith.constant 0 : i32
      %dma_wait3A_66 = tpu.memref_slice %arg3[%add3A, %add3A_61, %dma_wait3A_65] : memref<32x80x128xi32, #tpu.memory_space<hbm>> -> memref<1x1x128xi32, #tpu.memory_space<hbm>>
      %dma_wait3A_67 = tpu.memref_squeeze %dma_wait3A_66 : memref<1x1x128xi32, #tpu.memory_space<hbm>> -> memref<128xi32, #tpu.memory_space<hbm>>
      tpu.wait_dma2 semaphore(%arg16 : memref<!tpu.dma_semaphore, #tpu.memory_space<semaphore_mem>>) src(%dma_wait3A_67 : memref<128xi32, #tpu.memory_space<hbm>>) dst(%arg9 : memref<128xi32, #tpu.memory_space<vmem>>)
      %dma_wait3A_68 = arith.constant 0 : i32
      %dma_wait3A_69 = tpu.memref_slice %arg7[%add3A_61, %dma_wait3A_68] : memref<80x128xi32, #tpu.memory_space<vmem>> -> memref<1x128xi32, #tpu.memory_space<vmem>>
      %dma_wait3A_70 = tpu.memref_squeeze %dma_wait3A_69 : memref<1x128xi32, #tpu.memory_space<vmem>> -> memref<128xi32, #tpu.memory_space<vmem>>
      %dma_wait3A_71 = arith.constant 0 : i32
      %dma_wait3A_72 = arith.constant 0 : i32
      %dma_wait3A_73 = tpu.memref_slice %arg4[%dma_wait3A_71, %dma_wait3A_72] : memref<10240x128xf32, #tpu.memory_space<hbm>> -> memref<10240x128xf32, #tpu.memory_space<hbm>>
      tpu.wait_indirect_dma semaphore(%arg14 : memref<!tpu.dma_semaphore, #tpu.memory_space<semaphore_mem>>) src(%dma_wait3A_73 : memref<10240x128xf32, #tpu.memory_space<hbm>>) dst(%arg11 : memref<128x128xf32, #tpu.memory_space<vmem>>)
      "tpu.region"() ({
        %run_scoped3A = tpu.sem_alloc : memref<!tpu.dma_semaphore, #tpu.memory_space<semaphore_mem>>
        %dma_start3A_74 = arith.constant 0 : i32
        %dma_start3A_75 = arith.constant 0 : i32
        %dma_start3A_76 = tpu.memref_slice %arg12[%dma_start3A_74, %dma_start3A_75] : memref<10240x128xf32, #tpu.memory_space<vmem_shared>> -> memref<10240x128xf32, #tpu.memory_space<vmem_shared>>
        tpu.enqueue_indirect_dma source(%arg11 : memref<128x128xf32, #tpu.memory_space<vmem>>) target(%dma_start3A_76 : memref<10240x128xf32, #tpu.memory_space<vmem_shared>>) offsets(%arg9 : memref<128xi32, #tpu.memory_space<vmem>>) semaphore(%run_scoped3A : memref<!tpu.dma_semaphore, #tpu.memory_space<semaphore_mem>>) {add = true}
        %dma_wait3A_77 = arith.constant 0 : i32
        %dma_wait3A_78 = arith.constant 0 : i32
        %dma_wait3A_79 = tpu.memref_slice %arg12[%dma_wait3A_77, %dma_wait3A_78] : memref<10240x128xf32, #tpu.memory_space<vmem_shared>> -> memref<10240x128xf32, #tpu.memory_space<vmem_shared>>
        tpu.wait_indirect_dma semaphore(%run_scoped3A : memref<!tpu.dma_semaphore, #tpu.memory_space<semaphore_mem>>) src(%arg11 : memref<128x128xf32, #tpu.memory_space<vmem>>) dst(%dma_wait3A_79 : memref<10240x128xf32, #tpu.memory_space<vmem_shared>>)
        tpu.yield
      }) : () -> ()
    }
    %scan3A_22 = arith.constant 40 : i32
    %barrier3A_23 = arith.constant 0 : index
    tpu.barrier barrier_id(%barrier3A_23)
    %mul3A_24 = arith.constant 640 : i32
    %mul3A_25 = arith.muli %arg1, %mul3A_24 : i32
    %mul3A_26 = arith.constant 640 : i32
    %mul3A_27 = arith.muli %arg1, %mul3A_26 : i32
    "tpu.region"() ({
      %run_scoped3A = tpu.sem_alloc : memref<!tpu.dma_semaphore, #tpu.memory_space<semaphore_mem>>
      %dma_start3A_28 = arith.constant 0 : i32
      %dma_start3A_29 = tpu.memref_slice %arg6[%arg0, %mul3A_27, %dma_start3A_28] : memref<2x10240x128xf32, #tpu.memory_space<hbm>> -> memref<1x640x128xf32, #tpu.memory_space<hbm>>
      %dma_start3A_30 = tpu.memref_squeeze %dma_start3A_29 : memref<1x640x128xf32, #tpu.memory_space<hbm>> -> memref<640x128xf32, #tpu.memory_space<hbm>>
      %dma_start3A_31 = arith.constant 0 : i32
      %dma_start3A_32 = tpu.memref_slice %arg12[%mul3A_25, %dma_start3A_31] : memref<10240x128xf32, #tpu.memory_space<vmem_shared>> -> memref<640x128xf32, #tpu.memory_space<vmem_shared>>
      tpu.enqueue_dma source(%dma_start3A_32 : memref<640x128xf32, #tpu.memory_space<vmem_shared>>) target(%dma_start3A_30 : memref<640x128xf32, #tpu.memory_space<hbm>>) target_semaphore(%run_scoped3A : memref<!tpu.dma_semaphore, #tpu.memory_space<semaphore_mem>>)
      %dma_wait3A = arith.constant 0 : i32
      %dma_wait3A_33 = tpu.memref_slice %arg6[%arg0, %mul3A_27, %dma_wait3A] : memref<2x10240x128xf32, #tpu.memory_space<hbm>> -> memref<1x640x128xf32, #tpu.memory_space<hbm>>
      %dma_wait3A_34 = tpu.memref_squeeze %dma_wait3A_33 : memref<1x640x128xf32, #tpu.memory_space<hbm>> -> memref<640x128xf32, #tpu.memory_space<hbm>>
      %dma_wait3A_35 = arith.constant 0 : i32
      %dma_wait3A_36 = tpu.memref_slice %arg12[%mul3A_25, %dma_wait3A_35] : memref<10240x128xf32, #tpu.memory_space<vmem_shared>> -> memref<640x128xf32, #tpu.memory_space<vmem_shared>>
      tpu.wait_dma2 semaphore(%run_scoped3A : memref<!tpu.dma_semaphore, #tpu.memory_space<semaphore_mem>>) src(%dma_wait3A_36 : memref<640x128xf32, #tpu.memory_space<vmem_shared>>) dst(%dma_wait3A_34 : memref<640x128xf32, #tpu.memory_space<hbm>>)
      tpu.yield
    }) : () -> ()
    return
  }
}

#map = affine_map<(d0, d1) -> (0, 0, 0)>
#map1 = affine_map<(d0, d1) -> (0, 0)>
module attributes {stable_mosaic.version = 14 : i64} {
  func.func @_agg_pass(%arg0: i32, %arg1: i32, %arg2: memref<32x80x128xi32, #tpu.memory_space<hbm>>, %arg3: memref<32x80x128xi32, #tpu.memory_space<hbm>>, %arg4: memref<10240x128xf32, #tpu.memory_space<hbm>>, %arg5: memref<10240x128xf32, #tpu.memory_space<hbm>>, %arg6: memref<2x10240x128xf32, #tpu.memory_space<hbm>>, %arg7: memref<80x128xi32, #tpu.memory_space<vmem>>, %arg8: memref<128xi32, #tpu.memory_space<vmem>>, %arg9: memref<128xi32, #tpu.memory_space<vmem>>, %arg10: memref<128x128xf32, #tpu.memory_space<vmem>>, %arg11: memref<128x128xf32, #tpu.memory_space<vmem>>, %arg12: memref<10240x128xf32, #tpu.memory_space<vmem_shared>>, %arg13: memref<!tpu.dma_semaphore, #tpu.memory_space<semaphore_mem>>, %arg14: memref<!tpu.dma_semaphore, #tpu.memory_space<semaphore_mem>>, %arg15: memref<!tpu.dma_semaphore, #tpu.memory_space<semaphore_mem>>, %arg16: memref<!tpu.dma_semaphore, #tpu.memory_space<semaphore_mem>>) attributes {dimension_semantics = [#tpu.dimension_semantics<core_parallel>, #tpu.dimension_semantics<subcore_parallel>], iteration_bounds = array<i64: 2, 16>, scalar_prefetch = 0 : i64, scratch_operands = 10 : i64, tpu.core_type = #tpu.core_type<sc_vector_subcore>, window_params = [{transform_indices = #map}, {transform_indices = #map}, {transform_indices = #map1}, {transform_indices = #map1}, {transform_indices = #map}]} {
    %mul3A = arith.constant 2 : i32
    %mul3A_0 = arith.muli %arg1, %mul3A : i32
    %add3A = arith.addi %mul3A_0, %arg0 : i32
    "tpu.region"() ({
      %run_scoped3A = tpu.sem_alloc : memref<!tpu.dma_semaphore, #tpu.memory_space<semaphore_mem>>
      %dma_start3A_28 = arith.constant 0 : i32
      %dma_start3A_29 = arith.constant 0 : i32
      %dma_start3A_30 = tpu.memref_slice %arg2[%add3A, %dma_start3A_28, %dma_start3A_29] : memref<32x80x128xi32, #tpu.memory_space<hbm>> -> memref<1x80x128xi32, #tpu.memory_space<hbm>>
      %dma_start3A_31 = tpu.memref_squeeze %dma_start3A_30 : memref<1x80x128xi32, #tpu.memory_space<hbm>> -> memref<80x128xi32, #tpu.memory_space<hbm>>
      %dma_start3A_32 = arith.constant 0 : i32
      %dma_start3A_33 = arith.constant 0 : i32
      %dma_start3A_34 = tpu.memref_slice %arg2[%add3A, %dma_start3A_32, %dma_start3A_33] : memref<32x80x128xi32, #tpu.memory_space<hbm>> -> memref<1x80x128xi32, #tpu.memory_space<hbm>>
      %dma_start3A_35 = tpu.memref_squeeze %dma_start3A_34 : memref<1x80x128xi32, #tpu.memory_space<hbm>> -> memref<80x128xi32, #tpu.memory_space<hbm>>
      tpu.enqueue_dma source(%dma_start3A_35 : memref<80x128xi32, #tpu.memory_space<hbm>>) target(%arg7 : memref<80x128xi32, #tpu.memory_space<vmem>>) target_semaphore(%run_scoped3A : memref<!tpu.dma_semaphore, #tpu.memory_space<semaphore_mem>>)
      %dma_wait3A = arith.constant 0 : i32
      %dma_wait3A_36 = arith.constant 0 : i32
      %dma_wait3A_37 = tpu.memref_slice %arg2[%add3A, %dma_wait3A, %dma_wait3A_36] : memref<32x80x128xi32, #tpu.memory_space<hbm>> -> memref<1x80x128xi32, #tpu.memory_space<hbm>>
      %dma_wait3A_38 = tpu.memref_squeeze %dma_wait3A_37 : memref<1x80x128xi32, #tpu.memory_space<hbm>> -> memref<80x128xi32, #tpu.memory_space<hbm>>
      %dma_wait3A_39 = arith.constant 0 : i32
      %dma_wait3A_40 = arith.constant 0 : i32
      %dma_wait3A_41 = tpu.memref_slice %arg2[%add3A, %dma_wait3A_39, %dma_wait3A_40] : memref<32x80x128xi32, #tpu.memory_space<hbm>> -> memref<1x80x128xi32, #tpu.memory_space<hbm>>
      %dma_wait3A_42 = tpu.memref_squeeze %dma_wait3A_41 : memref<1x80x128xi32, #tpu.memory_space<hbm>> -> memref<80x128xi32, #tpu.memory_space<hbm>>
      tpu.wait_dma2 semaphore(%run_scoped3A : memref<!tpu.dma_semaphore, #tpu.memory_space<semaphore_mem>>) src(%dma_wait3A_42 : memref<80x128xi32, #tpu.memory_space<hbm>>) dst(%arg7 : memref<80x128xi32, #tpu.memory_space<vmem>>)
      tpu.yield
    }) : () -> ()
    %mul3A_1 = arith.constant 640 : i32
    %mul3A_2 = arith.muli %arg1, %mul3A_1 : i32
    %mul3A_3 = arith.constant 640 : i32
    %mul3A_4 = arith.muli %arg1, %mul3A_3 : i32
    "tpu.region"() ({
      %run_scoped3A = tpu.sem_alloc : memref<!tpu.dma_semaphore, #tpu.memory_space<semaphore_mem>>
      %dma_start3A_28 = arith.constant 0 : i32
      %dma_start3A_29 = tpu.memref_slice %arg12[%mul3A_4, %dma_start3A_28] : memref<10240x128xf32, #tpu.memory_space<vmem_shared>> -> memref<640x128xf32, #tpu.memory_space<vmem_shared>>
      %dma_start3A_30 = arith.constant 0 : i32
      %dma_start3A_31 = tpu.memref_slice %arg5[%mul3A_2, %dma_start3A_30] : memref<10240x128xf32, #tpu.memory_space<hbm>> -> memref<640x128xf32, #tpu.memory_space<hbm>>
      tpu.enqueue_dma source(%dma_start3A_31 : memref<640x128xf32, #tpu.memory_space<hbm>>) target(%dma_start3A_29 : memref<640x128xf32, #tpu.memory_space<vmem_shared>>) target_semaphore(%run_scoped3A : memref<!tpu.dma_semaphore, #tpu.memory_space<semaphore_mem>>)
      %dma_wait3A = arith.constant 0 : i32
      %dma_wait3A_32 = tpu.memref_slice %arg12[%mul3A_4, %dma_wait3A] : memref<10240x128xf32, #tpu.memory_space<vmem_shared>> -> memref<640x128xf32, #tpu.memory_space<vmem_shared>>
      %dma_wait3A_33 = arith.constant 0 : i32
      %dma_wait3A_34 = tpu.memref_slice %arg5[%mul3A_2, %dma_wait3A_33] : memref<10240x128xf32, #tpu.memory_space<hbm>> -> memref<640x128xf32, #tpu.memory_space<hbm>>
      tpu.wait_dma2 semaphore(%run_scoped3A : memref<!tpu.dma_semaphore, #tpu.memory_space<semaphore_mem>>) src(%dma_wait3A_34 : memref<640x128xf32, #tpu.memory_space<hbm>>) dst(%dma_wait3A_32 : memref<640x128xf32, #tpu.memory_space<vmem_shared>>)
      tpu.yield
    }) : () -> ()
    %barrier3A = arith.constant 0 : index
    tpu.barrier barrier_id(%barrier3A)
    %dma_start3A = arith.constant 0 : i32
    %dma_start3A_5 = arith.constant 0 : i32
    %dma_start3A_6 = tpu.memref_slice %arg3[%add3A, %dma_start3A, %dma_start3A_5] : memref<32x80x128xi32, #tpu.memory_space<hbm>> -> memref<1x1x128xi32, #tpu.memory_space<hbm>>
    %dma_start3A_7 = tpu.memref_squeeze %dma_start3A_6 : memref<1x1x128xi32, #tpu.memory_space<hbm>> -> memref<128xi32, #tpu.memory_space<hbm>>
    %dma_start3A_8 = arith.constant 0 : i32
    %dma_start3A_9 = tpu.memref_slice %arg3[%add3A, %dma_start3A, %dma_start3A_8] : memref<32x80x128xi32, #tpu.memory_space<hbm>> -> memref<1x1x128xi32, #tpu.memory_space<hbm>>
    %dma_start3A_10 = tpu.memref_squeeze %dma_start3A_9 : memref<1x1x128xi32, #tpu.memory_space<hbm>> -> memref<128xi32, #tpu.memory_space<hbm>>
    tpu.enqueue_dma source(%dma_start3A_10 : memref<128xi32, #tpu.memory_space<hbm>>) target(%arg8 : memref<128xi32, #tpu.memory_space<vmem>>) target_semaphore(%arg15 : memref<!tpu.dma_semaphore, #tpu.memory_space<semaphore_mem>>)
    %dma_start3A_11 = arith.constant 0 : i32
    %dma_start3A_12 = arith.constant 0 : i32
    %dma_start3A_13 = tpu.memref_slice %arg7[%dma_start3A_11, %dma_start3A_12] : memref<80x128xi32, #tpu.memory_space<vmem>> -> memref<1x128xi32, #tpu.memory_space<vmem>>
    %dma_start3A_14 = tpu.memref_squeeze %dma_start3A_13 : memref<1x128xi32, #tpu.memory_space<vmem>> -> memref<128xi32, #tpu.memory_space<vmem>>
    %dma_start3A_15 = arith.constant 0 : i32
    %dma_start3A_16 = arith.constant 0 : i32
    %dma_start3A_17 = tpu.memref_slice %arg4[%dma_start3A_15, %dma_start3A_16] : memref<10240x128xf32, #tpu.memory_space<hbm>> -> memref<10240x128xf32, #tpu.memory_space<hbm>>
    tpu.enqueue_indirect_dma source(%dma_start3A_17 : memref<10240x128xf32, #tpu.memory_space<hbm>>) target(%arg10 : memref<128x128xf32, #tpu.memory_space<vmem>>) offsets(%dma_start3A_14 : memref<128xi32, #tpu.memory_space<vmem>>) semaphore(%arg13 : memref<!tpu.dma_semaphore, #tpu.memory_space<semaphore_mem>>)
    %scan3A = arith.constant 0 : i32
    %scan3A_18 = arith.constant 0 : i32
    %scan3A_19 = arith.constant 40 : i32
    %scan3A_20 = arith.addi %scan3A_18, %scan3A_19 : i32
    %scan3A_21 = arith.constant 1 : i32
    scf.for %scan3A_28 = %scan3A_18 to %scan3A_20 step %scan3A_21  : i32 {
      %mul3A_29 = arith.constant 2 : i32
      %mul3A_30 = arith.muli %scan3A_28, %mul3A_29 : i32
      %add3A_31 = arith.constant 1 : i32
      %add3A_32 = arith.addi %mul3A_30, %add3A_31 : i32
      %dma_start3A_33 = arith.constant 0 : i32
      %dma_start3A_34 = tpu.memref_slice %arg3[%add3A, %add3A_32, %dma_start3A_33] : memref<32x80x128xi32, #tpu.memory_space<hbm>> -> memref<1x1x128xi32, #tpu.memory_space<hbm>>
      %dma_start3A_35 = tpu.memref_squeeze %dma_start3A_34 : memref<1x1x128xi32, #tpu.memory_space<hbm>> -> memref<128xi32, #tpu.memory_space<hbm>>
      %dma_start3A_36 = arith.constant 0 : i32
      %dma_start3A_37 = tpu.memref_slice %arg3[%add3A, %add3A_32, %dma_start3A_36] : memref<32x80x128xi32, #tpu.memory_space<hbm>> -> memref<1x1x128xi32, #tpu.memory_space<hbm>>
      %dma_start3A_38 = tpu.memref_squeeze %dma_start3A_37 : memref<1x1x128xi32, #tpu.memory_space<hbm>> -> memref<128xi32, #tpu.memory_space<hbm>>
      tpu.enqueue_dma source(%dma_start3A_38 : memref<128xi32, #tpu.memory_space<hbm>>) target(%arg9 : memref<128xi32, #tpu.memory_space<vmem>>) target_semaphore(%arg16 : memref<!tpu.dma_semaphore, #tpu.memory_space<semaphore_mem>>)
      %dma_start3A_39 = arith.constant 0 : i32
      %dma_start3A_40 = tpu.memref_slice %arg7[%add3A_32, %dma_start3A_39] : memref<80x128xi32, #tpu.memory_space<vmem>> -> memref<1x128xi32, #tpu.memory_space<vmem>>
      %dma_start3A_41 = tpu.memref_squeeze %dma_start3A_40 : memref<1x128xi32, #tpu.memory_space<vmem>> -> memref<128xi32, #tpu.memory_space<vmem>>
      %dma_start3A_42 = arith.constant 0 : i32
      %dma_start3A_43 = arith.constant 0 : i32
      %dma_start3A_44 = tpu.memref_slice %arg4[%dma_start3A_42, %dma_start3A_43] : memref<10240x128xf32, #tpu.memory_space<hbm>> -> memref<10240x128xf32, #tpu.memory_space<hbm>>
      tpu.enqueue_indirect_dma source(%dma_start3A_44 : memref<10240x128xf32, #tpu.memory_space<hbm>>) target(%arg11 : memref<128x128xf32, #tpu.memory_space<vmem>>) offsets(%dma_start3A_41 : memref<128xi32, #tpu.memory_space<vmem>>) semaphore(%arg14 : memref<!tpu.dma_semaphore, #tpu.memory_space<semaphore_mem>>)
      %dma_wait3A = arith.constant 0 : i32
      %dma_wait3A_45 = tpu.memref_slice %arg3[%add3A, %mul3A_30, %dma_wait3A] : memref<32x80x128xi32, #tpu.memory_space<hbm>> -> memref<1x1x128xi32, #tpu.memory_space<hbm>>
      %dma_wait3A_46 = tpu.memref_squeeze %dma_wait3A_45 : memref<1x1x128xi32, #tpu.memory_space<hbm>> -> memref<128xi32, #tpu.memory_space<hbm>>
      %dma_wait3A_47 = arith.constant 0 : i32
      %dma_wait3A_48 = tpu.memref_slice %arg3[%add3A, %mul3A_30, %dma_wait3A_47] : memref<32x80x128xi32, #tpu.memory_space<hbm>> -> memref<1x1x128xi32, #tpu.memory_space<hbm>>
      %dma_wait3A_49 = tpu.memref_squeeze %dma_wait3A_48 : memref<1x1x128xi32, #tpu.memory_space<hbm>> -> memref<128xi32, #tpu.memory_space<hbm>>
      tpu.wait_dma2 semaphore(%arg15 : memref<!tpu.dma_semaphore, #tpu.memory_space<semaphore_mem>>) src(%dma_wait3A_49 : memref<128xi32, #tpu.memory_space<hbm>>) dst(%arg8 : memref<128xi32, #tpu.memory_space<vmem>>)
      %dma_wait3A_50 = arith.constant 0 : i32
      %dma_wait3A_51 = tpu.memref_slice %arg7[%mul3A_30, %dma_wait3A_50] : memref<80x128xi32, #tpu.memory_space<vmem>> -> memref<1x128xi32, #tpu.memory_space<vmem>>
      %dma_wait3A_52 = tpu.memref_squeeze %dma_wait3A_51 : memref<1x128xi32, #tpu.memory_space<vmem>> -> memref<128xi32, #tpu.memory_space<vmem>>
      %dma_wait3A_53 = arith.constant 0 : i32
      %dma_wait3A_54 = arith.constant 0 : i32
      %dma_wait3A_55 = tpu.memref_slice %arg4[%dma_wait3A_53, %dma_wait3A_54] : memref<10240x128xf32, #tpu.memory_space<hbm>> -> memref<10240x128xf32, #tpu.memory_space<hbm>>
      tpu.wait_indirect_dma semaphore(%arg13 : memref<!tpu.dma_semaphore, #tpu.memory_space<semaphore_mem>>) src(%dma_wait3A_55 : memref<10240x128xf32, #tpu.memory_space<hbm>>) dst(%arg10 : memref<128x128xf32, #tpu.memory_space<vmem>>)
      "tpu.region"() ({
        %run_scoped3A = tpu.sem_alloc : memref<!tpu.dma_semaphore, #tpu.memory_space<semaphore_mem>>
        %dma_start3A_74 = arith.constant 0 : i32
        %dma_start3A_75 = arith.constant 0 : i32
        %dma_start3A_76 = tpu.memref_slice %arg12[%dma_start3A_74, %dma_start3A_75] : memref<10240x128xf32, #tpu.memory_space<vmem_shared>> -> memref<10240x128xf32, #tpu.memory_space<vmem_shared>>
        tpu.enqueue_indirect_dma source(%arg10 : memref<128x128xf32, #tpu.memory_space<vmem>>) target(%dma_start3A_76 : memref<10240x128xf32, #tpu.memory_space<vmem_shared>>) offsets(%arg8 : memref<128xi32, #tpu.memory_space<vmem>>) semaphore(%run_scoped3A : memref<!tpu.dma_semaphore, #tpu.memory_space<semaphore_mem>>) {add = true}
        %dma_wait3A_77 = arith.constant 0 : i32
        %dma_wait3A_78 = arith.constant 0 : i32
        %dma_wait3A_79 = tpu.memref_slice %arg12[%dma_wait3A_77, %dma_wait3A_78] : memref<10240x128xf32, #tpu.memory_space<vmem_shared>> -> memref<10240x128xf32, #tpu.memory_space<vmem_shared>>
        tpu.wait_indirect_dma semaphore(%run_scoped3A : memref<!tpu.dma_semaphore, #tpu.memory_space<semaphore_mem>>) src(%arg10 : memref<128x128xf32, #tpu.memory_space<vmem>>) dst(%dma_wait3A_79 : memref<10240x128xf32, #tpu.memory_space<vmem_shared>>)
        tpu.yield
      }) : () -> ()
      %add3A_56 = arith.constant 2 : i32
      %add3A_57 = arith.addi %mul3A_30, %add3A_56 : i32
      %lt3A = arith.constant 80 : i32
      %lt3A_58 = arith.cmpi slt, %add3A_57, %lt3A : i32
      %convert_element_type3A = arith.extui %lt3A_58 : i1 to i32
      %cond3A = arith.constant 0 : i32
      %cond3A_59 = arith.cmpi ne, %convert_element_type3A, %cond3A : i32
      scf.if %cond3A_59 {
        %add3A_74 = arith.constant 2 : i32
        %add3A_75 = arith.addi %mul3A_30, %add3A_74 : i32
        %dma_start3A_76 = arith.constant 0 : i32
        %dma_start3A_77 = tpu.memref_slice %arg3[%add3A, %add3A_75, %dma_start3A_76] : memref<32x80x128xi32, #tpu.memory_space<hbm>> -> memref<1x1x128xi32, #tpu.memory_space<hbm>>
        %dma_start3A_78 = tpu.memref_squeeze %dma_start3A_77 : memref<1x1x128xi32, #tpu.memory_space<hbm>> -> memref<128xi32, #tpu.memory_space<hbm>>
        %dma_start3A_79 = arith.constant 0 : i32
        %dma_start3A_80 = tpu.memref_slice %arg3[%add3A, %add3A_75, %dma_start3A_79] : memref<32x80x128xi32, #tpu.memory_space<hbm>> -> memref<1x1x128xi32, #tpu.memory_space<hbm>>
        %dma_start3A_81 = tpu.memref_squeeze %dma_start3A_80 : memref<1x1x128xi32, #tpu.memory_space<hbm>> -> memref<128xi32, #tpu.memory_space<hbm>>
        tpu.enqueue_dma source(%dma_start3A_81 : memref<128xi32, #tpu.memory_space<hbm>>) target(%arg8 : memref<128xi32, #tpu.memory_space<vmem>>) target_semaphore(%arg15 : memref<!tpu.dma_semaphore, #tpu.memory_space<semaphore_mem>>)
        %dma_start3A_82 = arith.constant 0 : i32
        %dma_start3A_83 = tpu.memref_slice %arg7[%add3A_75, %dma_start3A_82] : memref<80x128xi32, #tpu.memory_space<vmem>> -> memref<1x128xi32, #tpu.memory_space<vmem>>
        %dma_start3A_84 = tpu.memref_squeeze %dma_start3A_83 : memref<1x128xi32, #tpu.memory_space<vmem>> -> memref<128xi32, #tpu.memory_space<vmem>>
        %dma_start3A_85 = arith.constant 0 : i32
        %dma_start3A_86 = arith.constant 0 : i32
        %dma_start3A_87 = tpu.memref_slice %arg4[%dma_start3A_85, %dma_start3A_86] : memref<10240x128xf32, #tpu.memory_space<hbm>> -> memref<10240x128xf32, #tpu.memory_space<hbm>>
        tpu.enqueue_indirect_dma source(%dma_start3A_87 : memref<10240x128xf32, #tpu.memory_space<hbm>>) target(%arg10 : memref<128x128xf32, #tpu.memory_space<vmem>>) offsets(%dma_start3A_84 : memref<128xi32, #tpu.memory_space<vmem>>) semaphore(%arg13 : memref<!tpu.dma_semaphore, #tpu.memory_space<semaphore_mem>>)
      } else {
      }
      %add3A_60 = arith.constant 1 : i32
      %add3A_61 = arith.addi %mul3A_30, %add3A_60 : i32
      %dma_wait3A_62 = arith.constant 0 : i32
      %dma_wait3A_63 = tpu.memref_slice %arg3[%add3A, %add3A_61, %dma_wait3A_62] : memref<32x80x128xi32, #tpu.memory_space<hbm>> -> memref<1x1x128xi32, #tpu.memory_space<hbm>>
      %dma_wait3A_64 = tpu.memref_squeeze %dma_wait3A_63 : memref<1x1x128xi32, #tpu.memory_space<hbm>> -> memref<128xi32, #tpu.memory_space<hbm>>
      %dma_wait3A_65 = arith.constant 0 : i32
      %dma_wait3A_66 = tpu.memref_slice %arg3[%add3A, %add3A_61, %dma_wait3A_65] : memref<32x80x128xi32, #tpu.memory_space<hbm>> -> memref<1x1x128xi32, #tpu.memory_space<hbm>>
      %dma_wait3A_67 = tpu.memref_squeeze %dma_wait3A_66 : memref<1x1x128xi32, #tpu.memory_space<hbm>> -> memref<128xi32, #tpu.memory_space<hbm>>
      tpu.wait_dma2 semaphore(%arg16 : memref<!tpu.dma_semaphore, #tpu.memory_space<semaphore_mem>>) src(%dma_wait3A_67 : memref<128xi32, #tpu.memory_space<hbm>>) dst(%arg9 : memref<128xi32, #tpu.memory_space<vmem>>)
      %dma_wait3A_68 = arith.constant 0 : i32
      %dma_wait3A_69 = tpu.memref_slice %arg7[%add3A_61, %dma_wait3A_68] : memref<80x128xi32, #tpu.memory_space<vmem>> -> memref<1x128xi32, #tpu.memory_space<vmem>>
      %dma_wait3A_70 = tpu.memref_squeeze %dma_wait3A_69 : memref<1x128xi32, #tpu.memory_space<vmem>> -> memref<128xi32, #tpu.memory_space<vmem>>
      %dma_wait3A_71 = arith.constant 0 : i32
      %dma_wait3A_72 = arith.constant 0 : i32
      %dma_wait3A_73 = tpu.memref_slice %arg4[%dma_wait3A_71, %dma_wait3A_72] : memref<10240x128xf32, #tpu.memory_space<hbm>> -> memref<10240x128xf32, #tpu.memory_space<hbm>>
      tpu.wait_indirect_dma semaphore(%arg14 : memref<!tpu.dma_semaphore, #tpu.memory_space<semaphore_mem>>) src(%dma_wait3A_73 : memref<10240x128xf32, #tpu.memory_space<hbm>>) dst(%arg11 : memref<128x128xf32, #tpu.memory_space<vmem>>)
      "tpu.region"() ({
        %run_scoped3A = tpu.sem_alloc : memref<!tpu.dma_semaphore, #tpu.memory_space<semaphore_mem>>
        %dma_start3A_74 = arith.constant 0 : i32
        %dma_start3A_75 = arith.constant 0 : i32
        %dma_start3A_76 = tpu.memref_slice %arg12[%dma_start3A_74, %dma_start3A_75] : memref<10240x128xf32, #tpu.memory_space<vmem_shared>> -> memref<10240x128xf32, #tpu.memory_space<vmem_shared>>
        tpu.enqueue_indirect_dma source(%arg11 : memref<128x128xf32, #tpu.memory_space<vmem>>) target(%dma_start3A_76 : memref<10240x128xf32, #tpu.memory_space<vmem_shared>>) offsets(%arg9 : memref<128xi32, #tpu.memory_space<vmem>>) semaphore(%run_scoped3A : memref<!tpu.dma_semaphore, #tpu.memory_space<semaphore_mem>>) {add = true}
        %dma_wait3A_77 = arith.constant 0 : i32
        %dma_wait3A_78 = arith.constant 0 : i32
        %dma_wait3A_79 = tpu.memref_slice %arg12[%dma_wait3A_77, %dma_wait3A_78] : memref<10240x128xf32, #tpu.memory_space<vmem_shared>> -> memref<10240x128xf32, #tpu.memory_space<vmem_shared>>
        tpu.wait_indirect_dma semaphore(%run_scoped3A : memref<!tpu.dma_semaphore, #tpu.memory_space<semaphore_mem>>) src(%arg11 : memref<128x128xf32, #tpu.memory_space<vmem>>) dst(%dma_wait3A_79 : memref<10240x128xf32, #tpu.memory_space<vmem_shared>>)
        tpu.yield
      }) : () -> ()
    }
    %scan3A_22 = arith.constant 40 : i32
    %barrier3A_23 = arith.constant 0 : index
    tpu.barrier barrier_id(%barrier3A_23)
    %mul3A_24 = arith.constant 640 : i32
    %mul3A_25 = arith.muli %arg1, %mul3A_24 : i32
    %mul3A_26 = arith.constant 640 : i32
    %mul3A_27 = arith.muli %arg1, %mul3A_26 : i32
    "tpu.region"() ({
      %run_scoped3A = tpu.sem_alloc : memref<!tpu.dma_semaphore, #tpu.memory_space<semaphore_mem>>
      %dma_start3A_28 = arith.constant 0 : i32
      %dma_start3A_29 = tpu.memref_slice %arg6[%arg0, %mul3A_27, %dma_start3A_28] : memref<2x10240x128xf32, #tpu.memory_space<hbm>> -> memref<1x640x128xf32, #tpu.memory_space<hbm>>
      %dma_start3A_30 = tpu.memref_squeeze %dma_start3A_29 : memref<1x640x128xf32, #tpu.memory_space<hbm>> -> memref<640x128xf32, #tpu.memory_space<hbm>>
      %dma_start3A_31 = arith.constant 0 : i32
      %dma_start3A_32 = tpu.memref_slice %arg12[%mul3A_25, %dma_start3A_31] : memref<10240x128xf32, #tpu.memory_space<vmem_shared>> -> memref<640x128xf32, #tpu.memory_space<vmem_shared>>
      tpu.enqueue_dma source(%dma_start3A_32 : memref<640x128xf32, #tpu.memory_space<vmem_shared>>) target(%dma_start3A_30 : memref<640x128xf32, #tpu.memory_space<hbm>>) target_semaphore(%run_scoped3A : memref<!tpu.dma_semaphore, #tpu.memory_space<semaphore_mem>>)
      %dma_wait3A = arith.constant 0 : i32
      %dma_wait3A_33 = tpu.memref_slice %arg6[%arg0, %mul3A_27, %dma_wait3A] : memref<2x10240x128xf32, #tpu.memory_space<hbm>> -> memref<1x640x128xf32, #tpu.memory_space<hbm>>
      %dma_wait3A_34 = tpu.memref_squeeze %dma_wait3A_33 : memref<1x640x128xf32, #tpu.memory_space<hbm>> -> memref<640x128xf32, #tpu.memory_space<hbm>>
      %dma_wait3A_35 = arith.constant 0 : i32
      %dma_wait3A_36 = tpu.memref_slice %arg12[%mul3A_25, %dma_wait3A_35] : memref<10240x128xf32, #tpu.memory_space<vmem_shared>> -> memref<640x128xf32, #tpu.memory_space<vmem_shared>>
      tpu.wait_dma2 semaphore(%run_scoped3A : memref<!tpu.dma_semaphore, #tpu.memory_space<semaphore_mem>>) src(%dma_wait3A_36 : memref<640x128xf32, #tpu.memory_space<vmem_shared>>) dst(%dma_wait3A_34 : memref<640x128xf32, #tpu.memory_space<hbm>>)
      tpu.yield
    }) : () -> ()
    return
  }
}

module attributes {stable_mosaic.version = 14 : i64} {
  func.func @_k1_body(%arg0: i32, %arg1: memref<2x1280x128xf32, #tpu.memory_space<vmem>>, %arg2: memref<1280x128xf32, #tpu.memory_space<vmem>>, %arg3: memref<128x128xf32, #tpu.memory_space<vmem>>, %arg4: memref<128xf32, #tpu.memory_space<vmem>>, %arg5: memref<1280x128xf32, #tpu.memory_space<vmem>>) attributes {dimension_semantics = [#tpu.dimension_semantics<arbitrary>], iteration_bounds = array<i64: 8>, scalar_prefetch = 0 : i64, scratch_operands = 0 : i64, tpu.core_type = #tpu.core_type<tc>, window_params = [{transform_indices = @transform_0, window_bounds = array<i64: 2, 1280, 128>}, {transform_indices = @transform_1, window_bounds = array<i64: 1280, 128>}, {pipeline_mode = #tpu.pipeline_mode<synchronous>, transform_indices = @transform_2, window_bounds = array<i64: 128, 128>}, {pipeline_mode = #tpu.pipeline_mode<synchronous>, transform_indices = @transform_3, window_bounds = array<i64: 128>}, {transform_indices = @transform_4, window_bounds = array<i64: 1280, 128>}]} {
    %get3A = arith.constant 0 : index
    %get3A_0 = arith.constant 0 : index
    %get3A_1 = arith.constant 0 : index
    %get3A_2 = vector.load %arg1[%get3A, %get3A_0, %get3A_1] : memref<2x1280x128xf32, #tpu.memory_space<vmem>>, vector<1x1280x1xf32>
    %get3A_3 = vector.shape_cast %get3A_2 : vector<1x1280x1xf32> to vector<1280x1xf32>
    %add3A = arith.constant 1.000000e+00 : f32
    %add3A_4 = vector.broadcast %add3A : f32 to vector<1280x1xf32>
    %add3A_5 = arith.addf %add3A_4, %get3A_3 : vector<1280x1xf32>
    %get3A_6 = arith.constant 1 : index
    %get3A_7 = arith.constant 0 : index
    %get3A_8 = arith.constant 0 : index
    %get3A_9 = vector.load %arg1[%get3A_6, %get3A_7, %get3A_8] : memref<2x1280x128xf32, #tpu.memory_space<vmem>>, vector<1x1280x1xf32>
    %get3A_10 = vector.shape_cast %get3A_9 : vector<1x1280x1xf32> to vector<1280x1xf32>
    %add3A_11 = arith.addf %add3A_5, %get3A_10 : vector<1280x1xf32>
    %rsqrt3A = math.rsqrt %add3A_11 : vector<1280x1xf32>
    %get3A_12 = arith.constant 0 : index
    %get3A_13 = arith.constant 0 : index
    %get3A_14 = vector.load %arg2[%get3A_12, %get3A_13] : memref<1280x128xf32, #tpu.memory_space<vmem>>, vector<1280x128xf32>
    %get3A_15 = arith.constant 0 : index
    %get3A_16 = arith.constant 0 : index
    %get3A_17 = vector.load %arg3[%get3A_15, %get3A_16] : memref<128x128xf32, #tpu.memory_space<vmem>>, vector<128x128xf32>
    %dot_general3A = arith.constant dense<0.000000e+00> : vector<1280x128xf32>
    %dot_general3A_18 = tpu.matmul %get3A_14, %get3A_17, %dot_general3A {dimension_numbers = #tpu.dot_dimension_numbers<[1], [0], [0], [1], [0, 0, 1, 1], [], []>, transpose_lhs_hint = false} : vector<1280x128xf32>, vector<128x128xf32>, vector<1280x128xf32> -> vector<1280x128xf32>
    %get3A_19 = arith.constant 0 : index
    %get3A_20 = vector.load %arg4[%get3A_19] : memref<128xf32, #tpu.memory_space<vmem>>, vector<128xf32>
    %broadcast_in_dim3A = vector.shape_cast %get3A_20 : vector<128xf32> to vector<1x128xf32>
    %add3A_21 = vector.broadcast %broadcast_in_dim3A : vector<1x128xf32> to vector<1280x128xf32>
    %add3A_22 = arith.addf %dot_general3A_18, %add3A_21 : vector<1280x128xf32>
    %mul3A = vector.broadcast %rsqrt3A : vector<1280x1xf32> to vector<1280x128xf32>
    %mul3A_23 = arith.mulf %add3A_22, %mul3A : vector<1280x128xf32>
    %swap3A = arith.constant 0 : index
    %swap3A_24 = arith.constant 0 : index
    %swap3A_25 = vector.load %arg5[%swap3A, %swap3A_24] : memref<1280x128xf32, #tpu.memory_space<vmem>>, vector<1280x128xf32>
    tpu.vector_store %arg5[%swap3A, %swap3A_24], %mul3A_23 {strides = array<i32>} : memref<1280x128xf32, #tpu.memory_space<vmem>>, vector<1280x128xf32>,
    return
  }
  func.func @transform_0(%arg0: i32) -> (i32, i32, i32) {
    %c0_i32 = arith.constant 0 : i32
    %c0_i32_0 = arith.constant 0 : i32
    %c0_i32_1 = arith.constant 0 : i32
    return %c0_i32, %arg0, %c0_i32_0 : i32, i32, i32
  }
  func.func @transform_1(%arg0: i32) -> (i32, i32) {
    %c0_i32 = arith.constant 0 : i32
    %c0_i32_0 = arith.constant 0 : i32
    return %arg0, %c0_i32 : i32, i32
  }
  func.func @transform_2(%arg0: i32) -> (i32, i32) {
    %c0_i32 = arith.constant 0 : i32
    %c0_i32_0 = arith.constant 0 : i32
    %c0_i32_1 = arith.constant 0 : i32
    return %c0_i32, %c0_i32_0 : i32, i32
  }
  func.func @transform_3(%arg0: i32) -> i32 {
    %c0_i32 = arith.constant 0 : i32
    %c0_i32_0 = arith.constant 0 : i32
    return %c0_i32 : i32
  }
  func.func @transform_4(%arg0: i32) -> (i32, i32) {
    %c0_i32 = arith.constant 0 : i32
    %c0_i32_0 = arith.constant 0 : i32
    return %arg0, %c0_i32 : i32, i32
  }
}

module attributes {stable_mosaic.version = 14 : i64} {
  func.func @_k23_body(%arg0: i32, %arg1: memref<2x1280x128xf32, #tpu.memory_space<vmem>>, %arg2: memref<2x1280x128xf32, #tpu.memory_space<vmem>>, %arg3: memref<1280x128xf32, #tpu.memory_space<vmem>>, %arg4: memref<128x128xf32, #tpu.memory_space<vmem>>, %arg5: memref<128xf32, #tpu.memory_space<vmem>>, %arg6: memref<1280x128xf32, #tpu.memory_space<vmem>>) attributes {dimension_semantics = [#tpu.dimension_semantics<arbitrary>], iteration_bounds = array<i64: 8>, scalar_prefetch = 0 : i64, scratch_operands = 0 : i64, tpu.core_type = #tpu.core_type<tc>, window_params = [{transform_indices = @transform_0, window_bounds = array<i64: 2, 1280, 128>}, {transform_indices = @transform_1, window_bounds = array<i64: 2, 1280, 128>}, {transform_indices = @transform_2, window_bounds = array<i64: 1280, 128>}, {pipeline_mode = #tpu.pipeline_mode<synchronous>, transform_indices = @transform_3, window_bounds = array<i64: 128, 128>}, {pipeline_mode = #tpu.pipeline_mode<synchronous>, transform_indices = @transform_4, window_bounds = array<i64: 128>}, {transform_indices = @transform_5, window_bounds = array<i64: 1280, 128>}]} {
    %get3A = arith.constant 0 : index
    %get3A_0 = arith.constant 0 : index
    %get3A_1 = arith.constant 0 : index
    %get3A_2 = vector.load %arg1[%get3A, %get3A_0, %get3A_1] : memref<2x1280x128xf32, #tpu.memory_space<vmem>>, vector<1x1280x1xf32>
    %get3A_3 = vector.shape_cast %get3A_2 : vector<1x1280x1xf32> to vector<1280x1xf32>
    %add3A = arith.constant 1.000000e+00 : f32
    %add3A_4 = vector.broadcast %add3A : f32 to vector<1280x1xf32>
    %add3A_5 = arith.addf %add3A_4, %get3A_3 : vector<1280x1xf32>
    %get3A_6 = arith.constant 1 : index
    %get3A_7 = arith.constant 0 : index
    %get3A_8 = arith.constant 0 : index
    %get3A_9 = vector.load %arg1[%get3A_6, %get3A_7, %get3A_8] : memref<2x1280x128xf32, #tpu.memory_space<vmem>>, vector<1x1280x1xf32>
    %get3A_10 = vector.shape_cast %get3A_9 : vector<1x1280x1xf32> to vector<1280x1xf32>
    %add3A_11 = arith.addf %add3A_5, %get3A_10 : vector<1280x1xf32>
    %rsqrt3A = math.rsqrt %add3A_11 : vector<1280x1xf32>
    %get3A_12 = arith.constant 0 : index
    %get3A_13 = arith.constant 0 : index
    %get3A_14 = arith.constant 0 : index
    %get3A_15 = vector.load %arg2[%get3A_12, %get3A_13, %get3A_14] : memref<2x1280x128xf32, #tpu.memory_space<vmem>>, vector<1x1280x128xf32>
    %get3A_16 = vector.shape_cast %get3A_15 : vector<1x1280x128xf32> to vector<1280x128xf32>
    %get3A_17 = arith.constant 1 : index
    %get3A_18 = arith.constant 0 : index
    %get3A_19 = arith.constant 0 : index
    %get3A_20 = vector.load %arg2[%get3A_17, %get3A_18, %get3A_19] : memref<2x1280x128xf32, #tpu.memory_space<vmem>>, vector<1x1280x128xf32>
    %get3A_21 = vector.shape_cast %get3A_20 : vector<1x1280x128xf32> to vector<1280x128xf32>
    %add3A_22 = arith.addf %get3A_16, %get3A_21 : vector<1280x128xf32>
    %get3A_23 = arith.constant 0 : index
    %get3A_24 = arith.constant 0 : index
    %get3A_25 = vector.load %arg3[%get3A_23, %get3A_24] : memref<1280x128xf32, #tpu.memory_space<vmem>>, vector<1280x128xf32>
    %add3A_26 = arith.addf %add3A_22, %get3A_25 : vector<1280x128xf32>
    %mul3A = vector.broadcast %rsqrt3A : vector<1280x1xf32> to vector<1280x128xf32>
    %mul3A_27 = arith.mulf %add3A_26, %mul3A : vector<1280x128xf32>
    %max3A = arith.constant 0.000000e+00 : f32
    %max3A_28 = vector.broadcast %max3A : f32 to vector<1280x128xf32>
    %max3A_29 = arith.maximumf %mul3A_27, %max3A_28 : vector<1280x128xf32>
    %get3A_30 = arith.constant 0 : index
    %get3A_31 = arith.constant 0 : index
    %get3A_32 = vector.load %arg4[%get3A_30, %get3A_31] : memref<128x128xf32, #tpu.memory_space<vmem>>, vector<128x128xf32>
    %dot_general3A = arith.constant dense<0.000000e+00> : vector<1280x128xf32>
    %dot_general3A_33 = tpu.matmul %max3A_29, %get3A_32, %dot_general3A {dimension_numbers = #tpu.dot_dimension_numbers<[1], [0], [0], [1], [0, 0, 1, 1], [], []>, transpose_lhs_hint = false} : vector<1280x128xf32>, vector<128x128xf32>, vector<1280x128xf32> -> vector<1280x128xf32>
    %get3A_34 = arith.constant 0 : index
    %get3A_35 = vector.load %arg5[%get3A_34] : memref<128xf32, #tpu.memory_space<vmem>>, vector<128xf32>
    %broadcast_in_dim3A = vector.shape_cast %get3A_35 : vector<128xf32> to vector<1x128xf32>
    %add3A_36 = vector.broadcast %broadcast_in_dim3A : vector<1x128xf32> to vector<1280x128xf32>
    %add3A_37 = arith.addf %dot_general3A_33, %add3A_36 : vector<1280x128xf32>
    %mul3A_38 = vector.broadcast %rsqrt3A : vector<1280x1xf32> to vector<1280x128xf32>
    %mul3A_39 = arith.mulf %add3A_37, %mul3A_38 : vector<1280x128xf32>
    %swap3A = arith.constant 0 : index
    %swap3A_40 = arith.constant 0 : index
    %swap3A_41 = vector.load %arg6[%swap3A, %swap3A_40] : memref<1280x128xf32, #tpu.memory_space<vmem>>, vector<1280x128xf32>
    tpu.vector_store %arg6[%swap3A, %swap3A_40], %mul3A_39 {strides = array<i32>} : memref<1280x128xf32, #tpu.memory_space<vmem>>, vector<1280x128xf32>,
    return
  }
  func.func @transform_0(%arg0: i32) -> (i32, i32, i32) {
    %c0_i32 = arith.constant 0 : i32
    %c0_i32_0 = arith.constant 0 : i32
    %c0_i32_1 = arith.constant 0 : i32
    return %c0_i32, %arg0, %c0_i32_0 : i32, i32, i32
  }
  func.func @transform_1(%arg0: i32) -> (i32, i32, i32) {
    %c0_i32 = arith.constant 0 : i32
    %c0_i32_0 = arith.constant 0 : i32
    %c0_i32_1 = arith.constant 0 : i32
    return %c0_i32, %arg0, %c0_i32_0 : i32, i32, i32
  }
  func.func @transform_2(%arg0: i32) -> (i32, i32) {
    %c0_i32 = arith.constant 0 : i32
    %c0_i32_0 = arith.constant 0 : i32
    return %arg0, %c0_i32 : i32, i32
  }
  func.func @transform_3(%arg0: i32) -> (i32, i32) {
    %c0_i32 = arith.constant 0 : i32
    %c0_i32_0 = arith.constant 0 : i32
    %c0_i32_1 = arith.constant 0 : i32
    return %c0_i32, %c0_i32_0 : i32, i32
  }
  func.func @transform_4(%arg0: i32) -> i32 {
    %c0_i32 = arith.constant 0 : i32
    %c0_i32_0 = arith.constant 0 : i32
    return %c0_i32 : i32
  }
  func.func @transform_5(%arg0: i32) -> (i32, i32) {
    %c0_i32 = arith.constant 0 : i32
    %c0_i32_0 = arith.constant 0 : i32
    return %arg0, %c0_i32 : i32, i32
  }
}

module attributes {stable_mosaic.version = 14 : i64} {
  func.func @_k4_body(%arg0: i32, %arg1: memref<2x1280x128xf32, #tpu.memory_space<vmem>>, %arg2: memref<2x1280x128xf32, #tpu.memory_space<vmem>>, %arg3: memref<1280x128xf32, #tpu.memory_space<vmem>>, %arg4: memref<1280x128xf32, #tpu.memory_space<vmem>>) attributes {dimension_semantics = [#tpu.dimension_semantics<arbitrary>], iteration_bounds = array<i64: 8>, scalar_prefetch = 0 : i64, scratch_operands = 0 : i64, tpu.core_type = #tpu.core_type<tc>, window_params = [{transform_indices = @transform_0, window_bounds = array<i64: 2, 1280, 128>}, {transform_indices = @transform_1, window_bounds = array<i64: 2, 1280, 128>}, {transform_indices = @transform_2, window_bounds = array<i64: 1280, 128>}, {transform_indices = @transform_3, window_bounds = array<i64: 1280, 128>}]} {
    %get3A = arith.constant 0 : index
    %get3A_0 = arith.constant 0 : index
    %get3A_1 = arith.constant 0 : index
    %get3A_2 = vector.load %arg2[%get3A, %get3A_0, %get3A_1] : memref<2x1280x128xf32, #tpu.memory_space<vmem>>, vector<1x1280x128xf32>
    %get3A_3 = vector.shape_cast %get3A_2 : vector<1x1280x128xf32> to vector<1280x128xf32>
    %get3A_4 = arith.constant 1 : index
    %get3A_5 = arith.constant 0 : index
    %get3A_6 = arith.constant 0 : index
    %get3A_7 = vector.load %arg2[%get3A_4, %get3A_5, %get3A_6] : memref<2x1280x128xf32, #tpu.memory_space<vmem>>, vector<1x1280x128xf32>
    %get3A_8 = vector.shape_cast %get3A_7 : vector<1x1280x128xf32> to vector<1280x128xf32>
    %add3A = arith.addf %get3A_3, %get3A_8 : vector<1280x128xf32>
    %get3A_9 = arith.constant 0 : index
    %get3A_10 = arith.constant 0 : index
    %get3A_11 = vector.load %arg3[%get3A_9, %get3A_10] : memref<1280x128xf32, #tpu.memory_space<vmem>>, vector<1280x128xf32>
    %add3A_12 = arith.addf %add3A, %get3A_11 : vector<1280x128xf32>
    %get3A_13 = arith.constant 0 : index
    %get3A_14 = arith.constant 0 : index
    %get3A_15 = arith.constant 0 : index
    %get3A_16 = vector.load %arg1[%get3A_13, %get3A_14, %get3A_15] : memref<2x1280x128xf32, #tpu.memory_space<vmem>>, vector<1x1280x1xf32>
    %get3A_17 = vector.shape_cast %get3A_16 : vector<1x1280x1xf32> to vector<1280x1xf32>
    %add3A_18 = arith.constant 1.000000e+00 : f32
    %add3A_19 = vector.broadcast %add3A_18 : f32 to vector<1280x1xf32>
    %add3A_20 = arith.addf %add3A_19, %get3A_17 : vector<1280x1xf32>
    %get3A_21 = arith.constant 1 : index
    %get3A_22 = arith.constant 0 : index
    %get3A_23 = arith.constant 0 : index
    %get3A_24 = vector.load %arg1[%get3A_21, %get3A_22, %get3A_23] : memref<2x1280x128xf32, #tpu.memory_space<vmem>>, vector<1x1280x1xf32>
    %get3A_25 = vector.shape_cast %get3A_24 : vector<1x1280x1xf32> to vector<1280x1xf32>
    %add3A_26 = arith.addf %add3A_20, %get3A_25 : vector<1280x1xf32>
    %rsqrt3A = math.rsqrt %add3A_26 : vector<1280x1xf32>
    %mul3A = vector.broadcast %rsqrt3A : vector<1280x1xf32> to vector<1280x128xf32>
    %mul3A_27 = arith.mulf %add3A_12, %mul3A : vector<1280x128xf32>
    %swap3A = arith.constant 0 : index
    %swap3A_28 = arith.constant 0 : index
    %swap3A_29 = vector.load %arg4[%swap3A, %swap3A_28] : memref<1280x128xf32, #tpu.memory_space<vmem>>, vector<1280x128xf32>
    tpu.vector_store %arg4[%swap3A, %swap3A_28], %mul3A_27 {strides = array<i32>} : memref<1280x128xf32, #tpu.memory_space<vmem>>, vector<1280x128xf32>,
    return
  }
  func.func @transform_0(%arg0: i32) -> (i32, i32, i32) {
    %c0_i32 = arith.constant 0 : i32
    %c0_i32_0 = arith.constant 0 : i32
    %c0_i32_1 = arith.constant 0 : i32
    return %c0_i32, %arg0, %c0_i32_0 : i32, i32, i32
  }
  func.func @transform_1(%arg0: i32) -> (i32, i32, i32) {
    %c0_i32 = arith.constant 0 : i32
    %c0_i32_0 = arith.constant 0 : i32
    %c0_i32_1 = arith.constant 0 : i32
    return %c0_i32, %arg0, %c0_i32_0 : i32, i32, i32
  }
  func.func @transform_2(%arg0: i32) -> (i32, i32) {
    %c0_i32 = arith.constant 0 : i32
    %c0_i32_0 = arith.constant 0 : i32
    return %arg0, %c0_i32 : i32, i32
  }
  func.func @transform_3(%arg0: i32) -> (i32, i32) {
    %c0_i32 = arith.constant 0 : i32
    %c0_i32_0 = arith.constant 0 : i32
    return %arg0, %c0_i32 : i32, i32
  }
}

</mosaic_0001>

<sc_bundles>
// kernel: kernel.10.cloned.1.call-start
scs
__scs_entry_jumppad:
0x0: {  	(pc) =	sbr.rel $0x88, $3  }
0x1: {  	(tag) =	ssettag $0x0;
	lr =	simm.s32 $0x1  }
0x2: {  	[smem:$0x3F97] =	sst lr;
	_ =	strace $0xD0000000  }
0x3: {  	_ = 	snop  }
0x4: {  	_ = 	snop  }
0x5: {  	_ = 	snop  }
0x6: {  	_ = 	snop  }
0x7: {  	_ = 	snop  }
__scs_overlays_trampoline_lowered:
0x8: {  	[smem:$0x3FA6] =	sst s0  }
0x9: {  	[smem:$0x3FA7] =	sst s1  }
0xa: {  	[smem:$0x3FA8] =	sst s2  }
0xb: {  	[smem:$0x3FA9] =	sst s3  }
0xc: {  	[smem:$0x3FAA] =	sst s4  }
0xd: {  	[smem:$0x3FAB] =	sst s5  }
0xe: {  	[smem:$0x3FAC] =	sst s6  }
0xf: {  	[smem:$0x3FAD] =	sst s7  }
0x10: {  	[smem:$0x3FAE] =	sst s8  }
0x11: {  	[smem:$0x3FAF] =	sst s9;
	s0 =	simm.s32 @!p0 $0x0  }
0x12: {  	s1 =	sld [smem:$0x3F95];
	s0 =	simm.s32 @p0 $0x1  }
0x13: {  	[smem:$0x3FB0] =	sst s0;
	s0 =	simm.s32 @!p1 $0x0  }
0x14: {  	s2 =	sld [smem:$0x3F94];
	s0 =	simm.s32 @p1 $0x1  }
0x15: {  	[smem:$0x3FB1] =	sst s0;
	s0 =	simm.s32 @!p2 $0x0  }
0x16: {  	s3 =	sld [smem:$0x3FDB];
	s0 =	simm.s32 @p2 $0x1  }
0x17: {  	s4 =	simm.s32 $0x1BF5;
	[smem:$0x3FB3] =	sst s0  }
0x18: {  	s0 =	sld [smem:$0x3F96];
	_ =	swait.ge [sflag:s4], $0x0  }
0x19: {  	s7 =	sld [smem:$0x3F97]  }
0x1a: {  	s8 =	sadd.s32 $0xFFFFE003, lr  }
0x1b: {  	s9 =	sadd.s32 $0xFFFFFEF7, lr;
	s5 =	simm.s32 $0xFFFFFFFF;
	p2 =	slt.u32 s8, $0xFFFFF086  }
0x1c: {  	p1 =	slt.u32 s9, $0xF7A;
	s5 =	simm.s32 @!p2 $0x0  }
0x1d: {  	s5 =	simm.s32 @p1 $0x1;
	p0 =	seq.s32 s7, s2  }
0x1e: {  	s7 =	smul.u32 @!p0 $0xF7A, s2;
	p2 =	seq.s32 @!p0 s5, $0x0  }
0x1f: {  	s9 =	smul.u32 $0xF7A, s1;
	s8 =	simm.s32 @!p0 $0x1BF5;
	p2 =	por !p2, p0  }
0x20: {  	[sflag:s8] =	ssyncset.s32 @!p0 $0xFFFFF086;
	s6 =	sadd.s32 @!p0 s3, s7;
	s7 =	simm.s32 @!p0 $0x108  }
0x21: {  	s3 =	sadd.s32 s3, s9;
	s6 =	sadd.s32 @!p0 $0x88, s6;
	s7 =	simm.s32 @p2 $0x1082  }
0x22: {  	[simem:s7], [sflag:s8] =	dma.local @!p0 [hbm:s6], $0xF7A  }
0x23: {  	s9 =	sor.u32 $0xD0000000, s2;
	s6 =	simm.s32 $0x108;
	_ =	swait.ge @!p0 [sflag:s8], $0x0  }
0x24: {  	s3 =	sadd.s32 $0x88, s3;
	s6 =	simm.s32 @!p1 $0x1082;
	[sflag:s4] =	ssyncset.s32 $0xFFFFF086  }
0x25: {  	[simem:s6], [sflag:s4] =	dma.local [hbm:s3], $0xF7A  }
0x26: {  	[smem:$0x3F97] =	sst s1;
	(tag) =	ssettag s2;
	_ =	strace s9  }
0x27: {  	s1 =	sld [smem:$0x3FA7]  }
0x28: {  	s2 =	sld [smem:$0x3FA8]  }
0x29: {  	s4 =	sld [smem:$0x3FAA]  }
0x2a: {  	p0 =	seq.s32 s5, $0x0;
	s5 =	sld [smem:$0x3FAB]  }
0x2b: {  	s6 =	sld [smem:$0x3FAC]  }
0x2c: {  	s7 =	sld [smem:$0x3FAD]  }
0x2d: {  	s3 =	simm.s32 $0x108;
	s8 =	sld [smem:$0x3FAE]  }
0x2e: {  	s3 =	simm.s32 @!p0 $0x1082;
	s9 =	sld [smem:$0x3FAF]  }
0x2f: {  	lr =	sadd.s32 s0, s3;
	s0 =	sld [smem:$0x3FA6]  }
0x30: {  	s3 =	sld [smem:$0x3FA9]  }
0x31: {  	[smem:$0x3FB2] =	sst s10  }
0x32: {  	s10 =	sld [smem:$0x3FB0];
	_ =	sdelay $0x3  }
0x33: {  	p0 =	seq.s32 s10, $0x1;
	s10 =	sld [smem:$0x3FB2];
	_ =	sdelay $0x3  }
0x34: {  	[smem:$0x3FB2] =	sst s10  }
0x35: {  	s10 =	sld [smem:$0x3FB1];
	_ =	sdelay $0x3  }
0x36: {  	p1 =	seq.s32 s10, $0x1;
	s10 =	sld [smem:$0x3FB2];
	_ =	sdelay $0x3  }
0x37: {  	[smem:$0x3FB2] =	sst s10  }
0x38: {  	s10 =	sld [smem:$0x3FB3]  }
0x39: {  	_ = 	snop;
	(pc) =	sbr.ind lr, $3  }
0x3a: {  	_ = 	snop  }
0x3b: {  	_ = 	snop  }
0x3c: {  	p2 =	seq.s32 s10, $0x1;
	s10 =	sld [smem:$0x3FB2]  }
0x3d: {  	_ =	shalt  }
0x3e: {  	_ =	shalt  }
0x3f: {  	_ =	shalt  }
0x40: {  	_ =	shalt  }
0x41: {  	_ =	shalt  }
0x42: {  	_ =	shalt  }
0x43: {  	_ =	shalt  }
0x44: {  	_ =	shalt  }
0x45: {  	_ =	shalt  }
0x46: {  	_ =	shalt  }
0x47: {  	_ =	shalt  }
0x48: {  	_ =	shalt  }
0x49: {  	_ =	shalt  }
0x4a: {  	_ =	shalt  }
0x4b: {  	_ =	shalt  }
0x4c: {  	_ =	shalt  }
0x4d: {  	_ =	shalt  }
0x4e: {  	_ =	shalt  }
0x4f: {  	_ =	shalt  }
0x50: {  	_ =	shalt  }
0x51: {  	_ =	shalt  }
0x52: {  	_ =	shalt  }
0x53: {  	_ =	shalt  }
0x54: {  	_ =	shalt  }
0x55: {  	_ =	shalt  }
0x56: {  	_ =	shalt  }
0x57: {  	_ =	shalt  }
0x58: {  	_ =	shalt  }
0x59: {  	_ =	shalt  }
0x5a: {  	_ =	shalt  }
0x5b: {  	_ =	shalt  }
0x5c: {  	_ =	shalt  }
0x5d: {  	_ =	shalt  }
0x5e: {  	_ =	shalt  }
0x5f: {  	_ =	shalt  }
0x60: {  	_ =	shalt  }
0x61: {  	_ =	shalt  }
0x62: {  	_ =	shalt  }
0x63: {  	_ =	shalt  }
0x64: {  	_ =	shalt  }
0x65: {  	_ =	shalt  }
0x66: {  	_ =	shalt  }
0x67: {  	_ =	shalt  }
0x68: {  	_ =	shalt  }
0x69: {  	_ =	shalt  }
0x6a: {  	_ =	shalt  }
0x6b: {  	_ =	shalt  }
0x6c: {  	_ =	shalt  }
0x6d: {  	_ =	shalt  }
0x6e: {  	_ =	shalt  }
0x6f: {  	_ =	shalt  }
0x70: {  	_ =	shalt  }
0x71: {  	_ =	shalt  }
0x72: {  	_ =	shalt  }
0x73: {  	_ =	shalt  }
0x74: {  	_ =	shalt  }
0x75: {  	_ =	shalt  }
0x76: {  	_ =	shalt  }
0x77: {  	_ =	shalt  }
0x78: {  	_ =	shalt  }
0x79: {  	_ =	shalt  }
0x7a: {  	_ =	shalt  }
0x7b: {  	_ =	shalt  }
0x7c: {  	_ =	shalt  }
0x7d: {  	_ =	shalt  }
0x7e: {  	_ =	shalt  }
0x7f: {  	_ =	shalt  }
0x80: {  	_ =	shalt  }
0x81: {  	_ =	shalt  }
0x82: {  	_ =	shalt  }
0x83: {  	_ =	shalt  }
0x84: {  	_ =	shalt  }
0x85: {  	_ =	shalt  }
0x86: {  	_ =	shalt  }
0x87: {  	_ =	shalt  }
.Lfunc_end0:
.L_simem_size_0:
called_computation_lowered:
.L_overlay_start_0:
0x88: {  	s2 =	sld [smem:$0x3FD9]  }
0x89: {  	s3 =	sld [smem:$0x3FFE];
	_ =	sdelay $0x1  }
0x8a: {  	s1 =	srdreg.scid  }
0x8b: {  	s0 =	sand.u32 $0x1, s1  }
0x8c: {  	s14 =	sshll.u32 s0, $0xA;
	s2 =	sadd.s32 s3, s2  }
0x8d: {  	s2 =	sadd.s32 s2, s14  }
0x8e: {  	[smem:$0x3FBE] =	sst s2  }
0x8f: {  	_ = 	snop  }
0x90: {  	s2 =	sld [smem:$0x3FD0];
	_ =	sdelay $0x2  }
0x91: {  	s15 =	simm.s32 $0xA;
	s4 =	simm.s32 $0x10  }
0x92: {  	[smem:s4], [sflag:s15] =	dma.local [hbm:s2], $0x1  }
0x93: {  	_ =	swait.eq [sflag:s15], $0x1  }
0x94: {  	[sflag:s15] =	ssyncset.done $0x0  }
0x95: {  	[sflag:s15] =	ssyncadd.s32 $0xFFFFFFFF  }
0x96: {  	s16 =	sld [smem:$0x11];
	(tm) =	ssettm $0x1  }
0x97: {  	s17 =	sld [smem:$0x3FFB];
	_ =	sdelay $0x3  }
0x98: {  	_ =	strace s17  }
0x99: {  	s3 =	sld [smem:$0x3FFC];
	_ =	sdelay $0x3  }
0x9a: {  	_ =	strace s3  }
0x9b: {  	s3 =	sld [smem:$0x3FFD];
	_ =	sdelay $0x3  }
0x9c: {  	_ =	strace s3  }
0x9d: {  	_ =	strace $0x8FFFFFFF  }
0x9e: {  	s18 =	sld [smem:$0x3FDB];
	_ =	sdelay $0x1  }
0x9f: {  	s19 =	simm.s32 $_scs_section_size  }
0xa0: {  	s5 =	simm.s32 $_size__tile_overlayer_lowered;
	s6 =	simm.s32 $_tile_overlayer_lowered  }
0xa1: {  	s22 =	simm.s32 $0x1BFF;
	s21 =	sshll.u32 s6, $0x1;
	s3 =	sadd.s32 s19, s18  }
0xa2: {  	s7 =	simm.s32 $0x0;
	s20 =	sshll.u32 s5, $0x1;
	s5 =	sadd.s32 s21, s3  }
0xa3: {  	[timem:s7], [sflag:s22] =	dma.local [hbm:s5], s20  }
0xa4: {  	_ =	swait.ge [sflag:s22], s20  }
0xa5: {  	s4 =	ssub.s32 $0x0, s20;
	[sflag:s22] =	ssyncset.done $0x0  }
0xa6: {  	[sflag:s22] =	ssyncadd.s32 s4;
	_ =	sdelay $0x1  }
0xa7: {  	s23 =	simm.s32 $0x1B8B  }
0xa8: {  	_ =	swait.ge [sflag:s23], $0x1  }
0xa9: {  	[sflag:s23] =	ssyncset.done $0x0  }
0xaa: {  	s25 =	simm.s32 $0x1B8E;
	s24 =	sld [smem:$0x3FFE];
	[sflag:s23] =	ssyncadd.s32 $0xFFFFFFFF  }
0xab: {  	s26 =	simm.s32 $execute0_lowered;
	[smem:$0x3FD2] =	sst s25  }
0xac: {  	s5 =	sshll.u32 s26, $0x1;
	_ =	strace $0x80000046;
	[dreg:$0x1] =	wrdreg $0xFFFFFFFF  }
0xad: {  	s28 =	simm.s32 $_size_execute0_lowered;
	s3 =	sadd.s32 s3, s5;
	[dreg:$0x0] =	wrdreg $0x0  }
0xae: {  	s5 =	sshll.u32 s28, $0x1;
	[dreg:$0x2] =	wrdreg s3  }
0xaf: {  	[dreg:$0x3] =	wrdreg s5  }
0xb0: {  	[dreg:$0x4] =	wrdreg $0xC0  }
0xb1: {  	_ =	task [dreg:s7], $0x5FFFF  }
0xb2: {  	[dreg:$0x1] =	wrdreg $0xFFFFFFFF  }
0xb3: {  	[dreg:$0x0] =	wrdreg $0x60  }
0xb4: {  	[dreg:$0x2] =	wrdreg s16  }
0xb5: {  	[dreg:$0x3] =	wrdreg s24  }
0xb6: {  	[dreg:$0x4] =	wrdreg $0x41000  }
0xb7: {  	[dreg:$0x5] =	wrdreg $0x9  }
0xb8: {  	_ =	task.clear_ibuf [dreg:s7], $0x6FFFF;
	_ =	strace $0x90000046  }
0xb9: {  	s29 =	simm.s32 $0x9;
	_ =	strace $0x80000048  }
0xba: {  	_ =	swait.ge [sflag:s29], $0x1  }
0xbb: {  	[sflag:s29] =	ssyncadd.s32 $0xFFFFFFFF  }
0xbc: {  	_ =	strace $0x90000048  }
0xbd: {  	_ =	sfence  }
0xbe: {  	s30 =	sld [smem:$0x0];
	_ =	sdelay $0x2  }
0xbf: {  	s31 =	sshll.u32 s1, $0xD;
	s1 =	sshrl.u32 s1, $0x2  }
0xc0: {  	s3 =	sand.u32 $0x4000, s31;
	s1 =	sadd.s32 s1, s30  }
0xc1: {  	s0 =	sor.u32 s3, s0;
	s1 =	sshll.u32 s1, $0x11  }
0xc2: {  	s0 =	sor.u32 s1, s0  }
0xc3: {  	s0 =	sadd.s32 $0x8F2B, s0  }
0xc4: {  	[sflag:s0] =	ssyncadd.remote.s32 $0x1  }
0xc5: {  	_ =	sfence.sel $0xFFFF  }
0xc6: {  	[dreg:$0x0] =	wrdreg $0xFFFFFFFF;
	(pc) =	sbr.abs _section_cstart, $3  }
0xc7: {  	[dreg:$0x1] =	wrdreg $0xFFFFFFFF  }
0xc8: {  	_ =	task.clear_ibuf [dreg:s7], $0x2FFFF;
	_ =	strace $0x9FFFFFFF  }
0xc9: {  	(tm) =	ssettm $0x7FFFFFFF  }
tec
execute0_lowered:
.L_overlay_start_1:
0x0: {  	(tag) =	ssettag $0x1  }
0x1: {  	s1 =	rddreg [dreg:$0x0]  }
0x2: {  	s7 =	rddreg [dreg:$0x1]  }
0x3: {  	s3 =	rddreg [dreg:$0x2]  }
0x4: {  	s0 =	rddreg [dreg:$0x3];
	s4 =	simm.s32 $0x0;
	s2 =	stileid.u32  }
0x5: {  	s5 =	srdreg.scid;
	s15 =	simm.s32 $0x80;
	s16 =	simm.s32 $0x1  }
0x6: {  	s17 =	simm.s32 $0x100;
	s18 =	simm.s32 $0x2;
	s19 =	simm.s32 $0x0  }
0x7: {  	[smem:$0x7FF] =	sst s4;
	s6 =	smul.u32 $0x14000, s2;
	s8 =	sand.u32 $0x1, s5  }
0x8: {  	s5 =	sadd.s32 $0x3200, s7;
	s11 =	sshll.u32 s2, $0x1;
	s25 =	smul.u32 $0x50000, s2  }
0x9: {  	s13 =	sshll.u32 s2, $0x6;
	_ =	strace $0x80000047;
	s9 =	smul.u32 $0x140000, s8  }
0xa: {  	s11 =	sor.u32 s8, s11;
	s8 =	ssub.s32 $0x2, s8;
	s13 =	sor.u32 $0x1C03, s13  }
0xb: {  	s10 =	sshrl.u32 s6, $0x3;
	s28 =	sshrl.u32 s8, $0x1;
	s6 =	sadd.s32 s6, s9  }
0xc: {  	s30 =	sshrl.u32 s25, $0x2;
	s12 =	sshrl.u32 s6, $0x3;
	s6 =	smul.u32 $0x2800, s11  }
0xd: {  	s10 =	sadd.s32 s10, s7;
	s29 =	ssub.s32 s8, s28;
	s14 =	sadd.s32 s30, s3  }
0xe: {  	s14 =	sshrl.u32 s14, $0x3;
	s26 =	sadd.s32 s12, s7;
	s31 =	sshrl.u32 s6, $0x3  }
0xf: {  	s7 =	sadd.s32 $0x3A00, s10;
	s10 =	smax.u32 s29, $0x1;
	s8 =	sadd.s32 s1, s31  }
0x10: {  	s12 =	simm.s32 $0x3;
	s9 =	sadd.s32 $0x2BA00, s26;
	s11 =	sadd.s32 $0x4F0, s8  }
.LBB2_1:
0x11: {  	[tilespmem:s17], [sflag:$0x3] =	stream.linear.gather [hbm4b:s5+s4], $0x4000, $0x38;
	[tilespmem:$0x18100] =	vst v63  }
0x12: {  	_ =	swait.ge [sflag:s12], $0x4000  }
0x13: {  	s20 =	simm.s32 $0x0;
	[sflag:s12] =	ssyncset.done $0x0  }
0x14: {  	s21 =	sand.u32 $0x3C00, s20;
	[sflag:s12] =	ssyncadd.s32 $0xFFFFC000  }
0x15: {  	[spmem:s14], [sflag:s13] =	dma.local [hbm:s7], $0x2800  }
0x16: {  	s20 =	sand.u32 $0x300, s20;
	s21 =	sadd.s32 s6, s21;
	_ =	swait.ge [sflag:s12], $0x2800  }
0x17: {  	s20 =	sor.u32 s21, s20;
	[sflag:s12] =	ssyncset.done $0x0  }
0x18: {  	s20 =	sor.u32 $0x80, s20;
	[sflag:s12] =	ssyncadd.s32 $0xFFFFD800  }
0x19: {  	s20 =	sshrl.u32 s20, $0x3;
	[bflag:$0x0] =	sbarrier.arrive $0xFFFF  }
0x1a: {  	[tilespmem:s4], [sflag:$0x1] =	stream.linear.gather [hbm4b:s8+s4], $0x80, $0x38;
	[tilespmem:$0x18100] =	vst v63  }
0x1b: {  	s20 =	sadd.s32 s1, s20  }
0x1c: {  	[tilespmem:s15], [sflag:$0x2] =	stream.linear.gather [hbm4b:s20+s4], $0x80, $0x38;
	[tilespmem:$0x18100] =	vst v63  }
0x1d: {  	s29 =	sand.u32 $0x7C00, s17;
	_ =	swait.ge [sflag:s16], $0x80  }
0x1e: {  	s30 =	sand.u32 $0x300, s17;
	s31 =	simm.s32 $0x100;
	[sflag:s16] =	ssyncset.done $0x0  }
0x1f: {  	s22 =	sand.u32 $0x3C00, s31;
	s20 =	sadd.s32 s6, s29;
	[sflag:s16] =	ssyncadd.s32 $0xFFFFFF80  }
0x20: {  	[spmem:s3] =	stream.indirect.scatter.add.f32 [tilespmem:s17], [sflag:$0x3], $0x80, s4, s15, $0xb8;
	[tilespmem:$0x18100] =	vst v63  }
0x21: {  	s23 =	sand.u32 $0x300, s31;
	s20 =	sor.u32 s30, s20;
	_ =	swait.ge [sflag:s12], $0x4000  }
0x22: {  	s22 =	sadd.s32 s6, s22;
	s20 =	sshrl.u32 s20, $0x3;
	[sflag:s12] =	ssyncset.done $0x0  }
0x23: {  	s21 =	simm.s32 $0x300;
	s20 =	sadd.s32 s1, s20;
	[sflag:s12] =	ssyncadd.s32 $0xFFFFC000  }
0x24: {  	[tilespmem:s4], [sflag:$0x1] =	stream.linear.gather [hbm4b:s20+s4], $0x80, $0x38;
	[tilespmem:$0x18100] =	vst v63  }
0x25: {  	s22 =	sor.u32 s22, s23;
	s20 =	simm.s32 $0x200;
	_ =	swait.ge [sflag:s18], $0x80  }
.LBB2_2:
0x26: {  	p0 =	sne.s32 s21, $0x2700  }
0x27: {  	[sflag:s18] =	ssyncset.done $0x0;
	s23 =	smov.u32 s21;
	s21 =	sadd.s32 $0x100, s21  }
0x28: {  	[sflag:s18] =	ssyncadd.s32 $0xFFFFFF80  }
0x29: {  	[spmem:s3] =	stream.indirect.scatter.add.f32 [tilespmem:s17], [sflag:$0x3], $0x80, s15, s15, $0xb8;
	[tilespmem:$0x18100] =	vst v63  }
0x2a: {  	s22 =	sor.u32 $0x80, s22;
	_ =	swait.ge [sflag:s12], $0x4000  }
0x2b: {  	s22 =	sshrl.u32 s22, $0x3;
	[sflag:s12] =	ssyncset.done $0x0  }
0x2c: {  	s22 =	sadd.s32 s1, s22;
	[sflag:s12] =	ssyncadd.s32 $0xFFFFC000  }
0x2d: {  	[tilespmem:s15], [sflag:$0x2] =	stream.linear.gather [hbm4b:s22+s4], $0x80, $0x38;
	[tilespmem:$0x18100] =	vst v63  }
0x2e: {  	_ =	swait.ge [sflag:s16], $0x80  }
0x2f: {  	s24 =	sand.u32 $0x300, s20;
	[sflag:s16] =	ssyncset.done $0x0  }
0x30: {  	s22 =	sand.u32 $0x7C00, s20;
	s20 =	smov.u32 s23;
	[sflag:s16] =	ssyncadd.s32 $0xFFFFFF80  }
0x31: {  	[spmem:s3] =	stream.indirect.scatter.add.f32 [tilespmem:s17], [sflag:$0x3], $0x80, s4, s15, $0xb8;
	[tilespmem:$0x18100] =	vst v63  }
0x32: {  	s22 =	sadd.s32 s6, s22;
	s23 =	sadd.s32 $0xFFFFFF00, s20;
	_ =	swait.ge [sflag:s12], $0x4000  }
.Ltmp0:
0x33: {  	s22 =	sor.u32 s24, s22;
	[sflag:s12] =	ssyncset.done $0x0;
	(pc) =	sbr.rel @p0 .LBB2_2-.Ltmp0, $4  }
0x34: {  	s24 =	sand.u32 $0x3C00, s23;
	s22 =	sshrl.u32 s22, $0x3;
	[sflag:s12] =	ssyncadd.s32 $0xFFFFC000  }
0x35: {  	s23 =	sand.u32 $0x300, s23;
	s24 =	sadd.s32 s6, s24;
	s22 =	sadd.s32 s1, s22  }
0x36: {  	[tilespmem:s4], [sflag:$0x1] =	stream.linear.gather [hbm4b:s22+s4], $0x80, $0x38;
	[tilespmem:$0x18100] =	vst v63  }
0x37: {  	s22 =	sor.u32 s24, s23;
	_ =	swait.ge [sflag:s18], $0x80  }
0x38: {  	[sflag:s18] =	ssyncset.done $0x0  }
0x39: {  	[sflag:s18] =	ssyncadd.s32 $0xFFFFFF80  }
0x3a: {  	[spmem:s3] =	stream.indirect.scatter.add.f32 [tilespmem:s17], [sflag:$0x3], $0x80, s15, s15, $0xb8;
	[tilespmem:$0x18100] =	vst v63  }
0x3b: {  	s21 =	sor.u32 $0x80, s22;
	_ =	swait.ge [sflag:s12], $0x4000  }
0x3c: {  	s21 =	sshrl.u32 s21, $0x3;
	[sflag:s12] =	ssyncset.done $0x0  }
0x3d: {  	s21 =	sadd.s32 s1, s21;
	[sflag:s12] =	ssyncadd.s32 $0xFFFFC000  }
0x3e: {  	[tilespmem:s15], [sflag:$0x2] =	stream.linear.gather [hbm4b:s21+s4], $0x80, $0x38;
	[tilespmem:$0x18100] =	vst v63  }
0x3f: {  	_ =	swait.ge [sflag:s16], $0x80  }
0x40: {  	s30 =	sand.u32 $0x7C00, s20;
	[sflag:s16] =	ssyncset.done $0x0  }
0x41: {  	s31 =	sand.u32 $0x300, s20;
	s21 =	sadd.s32 s6, s30;
	[sflag:s16] =	ssyncadd.s32 $0xFFFFFF80  }
0x42: {  	[spmem:s3] =	stream.indirect.scatter.add.f32 [tilespmem:s17], [sflag:$0x3], $0x80, s4, s15, $0xb8;
	[tilespmem:$0x18100] =	vst v63  }
0x43: {  	s20 =	sor.u32 s31, s21;
	_ =	swait.ge [sflag:s12], $0x4000  }
0x44: {  	s20 =	sshrl.u32 s20, $0x3;
	[sflag:s12] =	ssyncset.done $0x0  }
0x45: {  	s20 =	sadd.s32 s1, s20;
	[sflag:s12] =	ssyncadd.s32 $0xFFFFC000  }
0x46: {  	[tilespmem:s4], [sflag:$0x1] =	stream.linear.gather [hbm4b:s20+s4], $0x80, $0x38;
	[tilespmem:$0x18100] =	vst v63  }
0x47: {  	_ =	swait.ge [sflag:s18], $0x80  }
0x48: {  	[sflag:s18] =	ssyncset.done $0x0  }
0x49: {  	[sflag:s18] =	ssyncadd.s32 $0xFFFFFF80  }
0x4a: {  	[spmem:s3] =	stream.indirect.scatter.add.f32 [tilespmem:s17], [sflag:$0x3], $0x80, s15, s15, $0xb8;
	[tilespmem:$0x18100] =	vst v63  }
0x4b: {  	_ =	swait.ge [sflag:s12], $0x4000  }
0x4c: {  	[sflag:s12] =	ssyncset.done $0x0  }
0x4d: {  	[sflag:s12] =	ssyncadd.s32 $0xFFFFC000  }
0x4e: {  	[tilespmem:s15], [sflag:$0x2] =	stream.linear.gather [hbm4b:s11+s4], $0x80, $0x38;
	[tilespmem:$0x18100] =	vst v63  }
0x4f: {  	_ =	swait.ge [sflag:s16], $0x80  }
0x50: {  	[sflag:s16] =	ssyncset.done $0x0  }
0x51: {  	[sflag:s16] =	ssyncadd.s32 $0xFFFFFF80  }
0x52: {  	[spmem:s3] =	stream.indirect.scatter.add.f32 [tilespmem:s17], [sflag:$0x3], $0x80, s4, s15, $0xb8;
	[tilespmem:$0x18100] =	vst v63  }
0x53: {  	_ =	swait.ge [sflag:s12], $0x4000  }
0x54: {  	[sflag:s12] =	ssyncset.done $0x0  }
0x55: {  	[sflag:s12] =	ssyncadd.s32 $0xFFFFC000  }
0x56: {  	_ =	swait.ge [sflag:s18], $0x80  }
0x57: {  	[sflag:s18] =	ssyncset.done $0x0  }
0x58: {  	[sflag:s18] =	ssyncadd.s32 $0xFFFFFF80  }
0x59: {  	[spmem:s3] =	stream.indirect.scatter.add.f32 [tilespmem:s17], [sflag:$0x3], $0x80, s15, s15, $0xb8;
	[tilespmem:$0x18100] =	vst v63  }
0x5a: {  	_ =	swait.ge [sflag:s12], $0x4000  }
0x5b: {  	s19 =	sadd.s32 $0x1, s19;
	[sflag:s12] =	ssyncset.done $0x0  }
0x5c: {  	p0 =	sne.s32 s19, s10;
	[sflag:s12] =	ssyncadd.s32 $0xFFFFC000  }
.Ltmp1:
0x5d: {  	[bflag:$0x0] =	sbarrier.arrive $0xFFFF;
	(pc) =	sbr.rel @p0 .LBB2_1-.Ltmp1, $4  }
0x5e: {  	[hbm:s9], [sflag:s13] =	dma.local [spmem:s14], $0x2800  }
0x5f: {  	_ =	swait.ge [sflag:s12], $0x2800  }
0x60: {  	[sflag:s12] =	ssyncset.done $0x0  }
0x61: {  	[sflag:s12] =	ssyncadd.s32 $0xFFFFD800  }
0x62: {  	_ =	sfence.sel $0x180000  }
0x63: {  	[bflag:$0x0] =	sbarrier.arrive $0xFFFF  }
0x64: {  	p0 =	sne.s32 s2, $0x0;
	_ =	strace $0x90000047  }
0x65: {  	s0 =	sadd.s32 @!p0 $0x100000, s0;
	[bflag:$0x2] =	sbarrier.arrive $0xFFFF  }
0x66: {  	[sflag:s0] =	ssyncadd.tile.s32 @!p0 $0x1;
	_ =	shalt  }
.Lfunc_end2:
_tile_overlayer_lowered:
.L_overlay_start_2:
0x67: {  	(tag) =	ssettag $0x2  }
0x68: {  	s0 =	rddreg [dreg:$0x0];
	s2 =	stileid.u32  }
0x69: {  	s1 =	rddreg [dreg:$0x1];
	p0 =	sne.s32 s2, $0x0  }
0x6a: {  	s3 =	rddreg [dreg:$0x2];
	[bflag:$0x3] =	sbarrier.arrive $0xFFFF;
	s2 =	simm.s32 @!p0 $0x1C03  }
0x6b: {  	[timem:s3], [sflag:s2] =	dma.local @!p0 [hbm:s0], s1  }
0x6c: {  	s0 =	simm.s32 @!p0 $0x3  }
0x6d: {  	_ =	swait.ge @!p0 [sflag:s0], s1  }
0x6e: {  	s1 =	ssub.s32 @!p0 $0x0, s1;
	[sflag:s0] =	ssyncset.done @!p0 $0x0  }
0x6f: {  	[sflag:s0] =	ssyncadd.s32 @!p0 s1  }
0x70: {  	[bflag:$0x3] =	sbarrier.arrive $0xFFFF  }
0x71: {  	_ =	shalt  }

// kernel: kernel.13.cloned.1.call-start
scs
__scs_entry_jumppad:
0x0: {  	(pc) =	sbr.rel $0x88, $3  }
0x1: {  	(tag) =	ssettag $0x0;
	lr =	simm.s32 $0x1  }
0x2: {  	[smem:$0x3F97] =	sst lr;
	_ =	strace $0xD0000000  }
0x3: {  	_ = 	snop  }
0x4: {  	_ = 	snop  }
0x5: {  	_ = 	snop  }
0x6: {  	_ = 	snop  }
0x7: {  	_ = 	snop  }
__scs_overlays_trampoline_lowered:
0x8: {  	[smem:$0x3FA6] =	sst s0  }
0x9: {  	[smem:$0x3FA7] =	sst s1  }
0xa: {  	[smem:$0x3FA8] =	sst s2  }
0xb: {  	[smem:$0x3FA9] =	sst s3  }
0xc: {  	[smem:$0x3FAA] =	sst s4  }
0xd: {  	[smem:$0x3FAB] =	sst s5  }
0xe: {  	[smem:$0x3FAC] =	sst s6  }
0xf: {  	[smem:$0x3FAD] =	sst s7  }
0x10: {  	[smem:$0x3FAE] =	sst s8  }
0x11: {  	[smem:$0x3FAF] =	sst s9;
	s0 =	simm.s32 @!p0 $0x0  }
0x12: {  	s1 =	sld [smem:$0x3F95];
	s0 =	simm.s32 @p0 $0x1  }
0x13: {  	[smem:$0x3FB0] =	sst s0;
	s0 =	simm.s32 @!p1 $0x0  }
0x14: {  	s2 =	sld [smem:$0x3F94];
	s0 =	simm.s32 @p1 $0x1  }
0x15: {  	[smem:$0x3FB1] =	sst s0;
	s0 =	simm.s32 @!p2 $0x0  }
0x16: {  	s3 =	sld [smem:$0x3FDB];
	s0 =	simm.s32 @p2 $0x1  }
0x17: {  	s4 =	simm.s32 $0x1BF5;
	[smem:$0x3FB3] =	sst s0  }
0x18: {  	s0 =	sld [smem:$0x3F96];
	_ =	swait.ge [sflag:s4], $0x0  }
0x19: {  	s7 =	sld [smem:$0x3F97]  }
0x1a: {  	s8 =	sadd.s32 $0xFFFFE003, lr  }
0x1b: {  	s9 =	sadd.s32 $0xFFFFFEF7, lr;
	s5 =	simm.s32 $0xFFFFFFFF;
	p2 =	slt.u32 s8, $0xFFFFF086  }
0x1c: {  	p1 =	slt.u32 s9, $0xF7A;
	s5 =	simm.s32 @!p2 $0x0  }
0x1d: {  	s5 =	simm.s32 @p1 $0x1;
	p0 =	seq.s32 s7, s2  }
0x1e: {  	s7 =	smul.u32 @!p0 $0xF7A, s2;
	p2 =	seq.s32 @!p0 s5, $0x0  }
0x1f: {  	s9 =	smul.u32 $0xF7A, s1;
	s8 =	simm.s32 @!p0 $0x1BF5;
	p2 =	por !p2, p0  }
0x20: {  	[sflag:s8] =	ssyncset.s32 @!p0 $0xFFFFF086;
	s6 =	sadd.s32 @!p0 s3, s7;
	s7 =	simm.s32 @!p0 $0x108  }
0x21: {  	s3 =	sadd.s32 s3, s9;
	s6 =	sadd.s32 @!p0 $0x88, s6;
	s7 =	simm.s32 @p2 $0x1082  }
0x22: {  	[simem:s7], [sflag:s8] =	dma.local @!p0 [hbm:s6], $0xF7A  }
0x23: {  	s9 =	sor.u32 $0xD0000000, s2;
	s6 =	simm.s32 $0x108;
	_ =	swait.ge @!p0 [sflag:s8], $0x0  }
0x24: {  	s3 =	sadd.s32 $0x88, s3;
	s6 =	simm.s32 @!p1 $0x1082;
	[sflag:s4] =	ssyncset.s32 $0xFFFFF086  }
0x25: {  	[simem:s6], [sflag:s4] =	dma.local [hbm:s3], $0xF7A  }
0x26: {  	[smem:$0x3F97] =	sst s1;
	(tag) =	ssettag s2;
	_ =	strace s9  }
0x27: {  	s1 =	sld [smem:$0x3FA7]  }
0x28: {  	s2 =	sld [smem:$0x3FA8]  }
0x29: {  	s4 =	sld [smem:$0x3FAA]  }
0x2a: {  	p0 =	seq.s32 s5, $0x0;
	s5 =	sld [smem:$0x3FAB]  }
0x2b: {  	s6 =	sld [smem:$0x3FAC]  }
0x2c: {  	s7 =	sld [smem:$0x3FAD]  }
0x2d: {  	s3 =	simm.s32 $0x108;
	s8 =	sld [smem:$0x3FAE]  }
0x2e: {  	s3 =	simm.s32 @!p0 $0x1082;
	s9 =	sld [smem:$0x3FAF]  }
0x2f: {  	lr =	sadd.s32 s0, s3;
	s0 =	sld [smem:$0x3FA6]  }
0x30: {  	s3 =	sld [smem:$0x3FA9]  }
0x31: {  	[smem:$0x3FB2] =	sst s10  }
0x32: {  	s10 =	sld [smem:$0x3FB0];
	_ =	sdelay $0x3  }
0x33: {  	p0 =	seq.s32 s10, $0x1;
	s10 =	sld [smem:$0x3FB2];
	_ =	sdelay $0x3  }
0x34: {  	[smem:$0x3FB2] =	sst s10  }
0x35: {  	s10 =	sld [smem:$0x3FB1];
	_ =	sdelay $0x3  }
0x36: {  	p1 =	seq.s32 s10, $0x1;
	s10 =	sld [smem:$0x3FB2];
	_ =	sdelay $0x3  }
0x37: {  	[smem:$0x3FB2] =	sst s10  }
0x38: {  	s10 =	sld [smem:$0x3FB3]  }
0x39: {  	_ = 	snop;
	(pc) =	sbr.ind lr, $3  }
0x3a: {  	_ = 	snop  }
0x3b: {  	_ = 	snop  }
0x3c: {  	p2 =	seq.s32 s10, $0x1;
	s10 =	sld [smem:$0x3FB2]  }
0x3d: {  	_ =	shalt  }
0x3e: {  	_ =	shalt  }
0x3f: {  	_ =	shalt  }
0x40: {  	_ =	shalt  }
0x41: {  	_ =	shalt  }
0x42: {  	_ =	shalt  }
0x43: {  	_ =	shalt  }
0x44: {  	_ =	shalt  }
0x45: {  	_ =	shalt  }
0x46: {  	_ =	shalt  }
0x47: {  	_ =	shalt  }
0x48: {  	_ =	shalt  }
0x49: {  	_ =	shalt  }
0x4a: {  	_ =	shalt  }
0x4b: {  	_ =	shalt  }
0x4c: {  	_ =	shalt  }
0x4d: {  	_ =	shalt  }
0x4e: {  	_ =	shalt  }
0x4f: {  	_ =	shalt  }
0x50: {  	_ =	shalt  }
0x51: {  	_ =	shalt  }
0x52: {  	_ =	shalt  }
0x53: {  	_ =	shalt  }
0x54: {  	_ =	shalt  }
0x55: {  	_ =	shalt  }
0x56: {  	_ =	shalt  }
0x57: {  	_ =	shalt  }
0x58: {  	_ =	shalt  }
0x59: {  	_ =	shalt  }
0x5a: {  	_ =	shalt  }
0x5b: {  	_ =	shalt  }
0x5c: {  	_ =	shalt  }
0x5d: {  	_ =	shalt  }
0x5e: {  	_ =	shalt  }
0x5f: {  	_ =	shalt  }
0x60: {  	_ =	shalt  }
0x61: {  	_ =	shalt  }
0x62: {  	_ =	shalt  }
0x63: {  	_ =	shalt  }
0x64: {  	_ =	shalt  }
0x65: {  	_ =	shalt  }
0x66: {  	_ =	shalt  }
0x67: {  	_ =	shalt  }
0x68: {  	_ =	shalt  }
0x69: {  	_ =	shalt  }
0x6a: {  	_ =	shalt  }
0x6b: {  	_ =	shalt  }
0x6c: {  	_ =	shalt  }
0x6d: {  	_ =	shalt  }
0x6e: {  	_ =	shalt  }
0x6f: {  	_ =	shalt  }
0x70: {  	_ =	shalt  }
0x71: {  	_ =	shalt  }
0x72: {  	_ =	shalt  }
0x73: {  	_ =	shalt  }
0x74: {  	_ =	shalt  }
0x75: {  	_ =	shalt  }
0x76: {  	_ =	shalt  }
0x77: {  	_ =	shalt  }
0x78: {  	_ =	shalt  }
0x79: {  	_ =	shalt  }
0x7a: {  	_ =	shalt  }
0x7b: {  	_ =	shalt  }
0x7c: {  	_ =	shalt  }
0x7d: {  	_ =	shalt  }
0x7e: {  	_ =	shalt  }
0x7f: {  	_ =	shalt  }
0x80: {  	_ =	shalt  }
0x81: {  	_ =	shalt  }
0x82: {  	_ =	shalt  }
0x83: {  	_ =	shalt  }
0x84: {  	_ =	shalt  }
0x85: {  	_ =	shalt  }
0x86: {  	_ =	shalt  }
0x87: {  	_ =	shalt  }
.Lfunc_end0:
.L_simem_size_0:
called_computation.1_lowered:
.L_overlay_start_0:
0x88: {  	s2 =	sld [smem:$0x3FD9]  }
0x89: {  	s3 =	sld [smem:$0x3FFE];
	_ =	sdelay $0x1  }
0x8a: {  	s1 =	srdreg.scid  }
0x8b: {  	s0 =	sand.u32 $0x1, s1  }
0x8c: {  	s14 =	sshll.u32 s0, $0xA;
	s2 =	sadd.s32 s3, s2  }
0x8d: {  	s2 =	sadd.s32 s2, s14  }
0x8e: {  	[smem:$0x3FBE] =	sst s2  }
0x8f: {  	_ = 	snop  }
0x90: {  	s2 =	sld [smem:$0x3FD0];
	_ =	sdelay $0x2  }
0x91: {  	s15 =	simm.s32 $0xA;
	s4 =	simm.s32 $0x10  }
0x92: {  	[smem:s4], [sflag:s15] =	dma.local [hbm:s2], $0x1  }
0x93: {  	_ =	swait.eq [sflag:s15], $0x1  }
0x94: {  	[sflag:s15] =	ssyncset.done $0x0  }
0x95: {  	s16 =	sld [smem:$0x10];
	[sflag:s15] =	ssyncadd.s32 $0xFFFFFFFF  }
0x96: {  	s17 =	sld [smem:$0x11];
	(tm) =	ssettm $0x1  }
0x97: {  	s18 =	sld [smem:$0x3FFB];
	_ =	sdelay $0x3  }
0x98: {  	_ =	strace s18  }
0x99: {  	s4 =	sld [smem:$0x3FFC];
	_ =	sdelay $0x3  }
0x9a: {  	_ =	strace s4  }
0x9b: {  	s4 =	sld [smem:$0x3FFD];
	_ =	sdelay $0x3  }
0x9c: {  	_ =	strace s4  }
0x9d: {  	_ =	strace $0x8FFFFFFF  }
0x9e: {  	s19 =	sld [smem:$0x3FDB];
	_ =	sdelay $0x1  }
0x9f: {  	s5 =	simm.s32 $_scs_section_size  }
0xa0: {  	s6 =	simm.s32 $_size__tile_overlayer_lowered;
	s7 =	simm.s32 $_tile_overlayer_lowered  }
0xa1: {  	s22 =	simm.s32 $0x1BFF;
	s21 =	sshll.u32 s7, $0x1;
	s4 =	sadd.s32 s5, s19  }
0xa2: {  	s8 =	simm.s32 $0x0;
	s20 =	sshll.u32 s6, $0x1;
	s6 =	sadd.s32 s21, s4  }
0xa3: {  	[timem:s8], [sflag:s22] =	dma.local [hbm:s6], s20  }
0xa4: {  	_ =	swait.ge [sflag:s22], s20  }
0xa5: {  	s5 =	ssub.s32 $0x0, s20;
	[sflag:s22] =	ssyncset.done $0x0  }
0xa6: {  	[sflag:s22] =	ssyncadd.s32 s5;
	_ =	sdelay $0x1  }
0xa7: {  	s23 =	simm.s32 $0x1B8B  }
0xa8: {  	_ =	swait.ge [sflag:s23], $0x1  }
0xa9: {  	[sflag:s23] =	ssyncset.done $0x0  }
0xaa: {  	s25 =	simm.s32 $0x1B8E;
	s24 =	sld [smem:$0x3FFE];
	[sflag:s23] =	ssyncadd.s32 $0xFFFFFFFF  }
0xab: {  	s26 =	simm.s32 $execute0_lowered;
	[smem:$0x3FD2] =	sst s25  }
0xac: {  	s6 =	sshll.u32 s26, $0x1;
	_ =	strace $0x80000049;
	[dreg:$0x1] =	wrdreg $0xFFFFFFFF  }
0xad: {  	s28 =	simm.s32 $_size_execute0_lowered;
	s4 =	sadd.s32 s4, s6;
	[dreg:$0x0] =	wrdreg $0x0  }
0xae: {  	s6 =	sshll.u32 s28, $0x1;
	[dreg:$0x2] =	wrdreg s4  }
0xaf: {  	[dreg:$0x3] =	wrdreg s6  }
0xb0: {  	[dreg:$0x4] =	wrdreg $0xC0  }
0xb1: {  	_ =	task [dreg:s8], $0x5FFFF  }
0xb2: {  	[dreg:$0x1] =	wrdreg $0xFFFFFFFF  }
0xb3: {  	[dreg:$0x0] =	wrdreg $0x60  }
0xb4: {  	[dreg:$0x2] =	wrdreg s16  }
0xb5: {  	[dreg:$0x3] =	wrdreg s17  }
0xb6: {  	[dreg:$0x4] =	wrdreg s24  }
0xb7: {  	[dreg:$0x5] =	wrdreg $0xA9000  }
0xb8: {  	[dreg:$0x6] =	wrdreg $0x9  }
0xb9: {  	_ =	task.clear_ibuf [dreg:s8], $0x7FFFF;
	_ =	strace $0x90000049  }
0xba: {  	s29 =	simm.s32 $0x9;
	_ =	strace $0x8000004B  }
0xbb: {  	_ =	swait.ge [sflag:s29], $0x1  }
0xbc: {  	[sflag:s29] =	ssyncadd.s32 $0xFFFFFFFF  }
0xbd: {  	_ =	strace $0x9000004B  }
0xbe: {  	_ =	sfence  }
0xbf: {  	s30 =	sld [smem:$0x0];
	_ =	sdelay $0x2  }
0xc0: {  	s31 =	sshll.u32 s1, $0xD;
	s1 =	sshrl.u32 s1, $0x2  }
0xc1: {  	s3 =	sand.u32 $0x4000, s31;
	s1 =	sadd.s32 s1, s30  }
0xc2: {  	s0 =	sor.u32 s3, s0;
	s1 =	sshll.u32 s1, $0x11  }
0xc3: {  	s0 =	sor.u32 s1, s0  }
0xc4: {  	s0 =	sadd.s32 $0x8F2B, s0  }
0xc5: {  	[sflag:s0] =	ssyncadd.remote.s32 $0x1  }
0xc6: {  	_ =	sfence.sel $0xFFFF  }
0xc7: {  	[dreg:$0x0] =	wrdreg $0xFFFFFFFF;
	(pc) =	sbr.abs _section_cstart, $3  }
0xc8: {  	[dreg:$0x1] =	wrdreg $0xFFFFFFFF  }
0xc9: {  	_ =	task.clear_ibuf [dreg:s8], $0x2FFFF;
	_ =	strace $0x9FFFFFFF  }
0xca: {  	(tm) =	ssettm $0x7FFFFFFF  }
0xcb: {  	_ =	shalt  }
tec
execute0_lowered:
.L_overlay_start_1:
0x0: {  	(tag) =	ssettag $0x1  }
0x1: {  	s0 =	rddreg [dreg:$0x0]  }
0x2: {  	s1 =	rddreg [dreg:$0x1]  }
0x3: {  	s7 =	rddreg [dreg:$0x2]  }
0x4: {  	s3 =	rddreg [dreg:$0x3]  }
0x5: {  	s4 =	simm.s32 $0x0;
	s2 =	stileid.u32;
	s5 =	srdreg.scid  }
0x6: {  	s16 =	simm.s32 $0x2800;
	s17 =	simm.s32 $0x2900;
	s18 =	simm.s32 $0x2880  }
0x7: {  	s19 =	simm.s32 $0x80;
	s20 =	simm.s32 $0x6900;
	s21 =	simm.s32 $0x3  }
0x8: {  	s22 =	simm.s32 $0x1;
	s23 =	simm.s32 $0x4;
	s24 =	simm.s32 $0x2  }
0x9: {  	s25 =	simm.s32 $0x2780;
	s26 =	simm.s32 $0x0;
	[smem:$0x7FF] =	sst s4  }
0xa: {  	s6 =	smul.u32 $0x14000, s2;
	s8 =	sand.u32 $0x1, s5;
	s10 =	sshll.u32 s2, $0x1  }
0xb: {  	s5 =	sadd.s32 $0x2BA00, s7;
	s28 =	smul.u32 $0x50000, s2;
	s14 =	sshll.u32 s2, $0x6  }
0xc: {  	_ =	strace $0x8000004A;
	s9 =	smul.u32 $0x140000, s8;
	s10 =	sor.u32 s8, s10  }
0xd: {  	s8 =	ssub.s32 $0x2, s8;
	s14 =	sor.u32 $0x1C05, s14;
	s11 =	sshrl.u32 s6, $0x3  }
0xe: {  	s29 =	sshrl.u32 s8, $0x1;
	s31 =	sshrl.u32 s28, $0x2;
	s11 =	sadd.s32 s11, s7  }
0xf: {  	s9 =	sadd.s32 s6, s9;
	s6 =	smul.u32 $0x2800, s10;
	s13 =	ssub.s32 s8, s29  }
0x10: {  	s9 =	sshrl.u32 s9, $0x3;
	s8 =	sadd.s32 $0x3A00, s11;
	s11 =	smax.u32 s13, $0x1  }
0x11: {  	s13 =	simm.s32 $0x5;
	s12 =	sadd.s32 s9, s7;
	s30 =	sshrl.u32 s6, $0x3  }
0x12: {  	s7 =	sadd.s32 s0, s30;
	s0 =	sadd.s32 s31, s3;
	s9 =	sadd.s32 s1, s30  }
0x13: {  	s10 =	sadd.s32 $0x53A00, s12;
	s12 =	sadd.s32 $0x4F0, s9;
	s15 =	sshrl.u32 s0, $0x3  }
.LBB2_1:
0x14: {  	[tilespmem:s4], [sflag:$0x5] =	stream.linear.gather [hbm4b:s7+s4], $0x2800, $0x38;
	[tilespmem:$0x1E900] =	vst v63  }
0x15: {  	_ =	swait.ge [sflag:s13], $0x2800  }
0x16: {  	[sflag:s13] =	ssyncset.done $0x0  }
0x17: {  	[sflag:s13] =	ssyncadd.s32 $0xFFFFD800  }
0x18: {  	[spmem:s15], [sflag:s14] =	dma.local [hbm:s8], $0x2800  }
0x19: {  	s0 =	simm.s32 $0x0;
	_ =	swait.ge [sflag:s13], $0x2800  }
0x1a: {  	s28 =	simm.s32 $0x80;
	s0 =	sand.u32 $0x3C00, s0;
	[sflag:s13] =	ssyncset.done $0x0  }
0x1b: {  	s28 =	sand.u32 $0x380, s28;
	s0 =	sadd.s32 s6, s0;
	[sflag:s13] =	ssyncadd.s32 $0xFFFFD800  }
0x1c: {  	s0 =	sor.u32 s0, s28;
	[bflag:$0x0] =	sbarrier.arrive $0xFFFF  }
0x1d: {  	[tilespmem:s16], [sflag:$0x3] =	stream.linear.gather [hbm4b:s9+s4], $0x80, $0x38;
	[tilespmem:$0x1E900] =	vst v63  }
0x1e: {  	s0 =	sshrl.u32 s0, $0x3  }
0x1f: {  	[tilespmem:s17], [sflag:$0x1] =	stream.indirect.gather [hbm4b:s5+s19], $0x80, s4, s19, $0xb8;
	[tilespmem:$0x1E900] =	vst v63  }
0x20: {  	s0 =	sadd.s32 s1, s0  }
0x21: {  	[tilespmem:s18], [sflag:$0x4] =	stream.linear.gather [hbm4b:s0+s4], $0x80, $0x38;
	[tilespmem:$0x1E900] =	vst v63  }
0x22: {  	_ = 	snop  }
0x23: {  	[tilespmem:s20], [sflag:$0x2] =	stream.indirect.gather [hbm4b:s5+s19], $0x80, s19, s19, $0xb8;
	[tilespmem:$0x1E900] =	vst v63  }
0x24: {  	_ =	swait.ge [sflag:s21], $0x80  }
0x25: {  	[sflag:s21] =	ssyncset.done $0x0  }
0x26: {  	[sflag:s21] =	ssyncadd.s32 $0xFFFFFF80  }
0x27: {  	s2 =	simm.s32 $0x100;
	_ =	swait.ge [sflag:s22], $0x4000  }
0x28: {  	s28 =	sand.u32 $0x7C00, s2;
	[sflag:s22] =	ssyncset.done $0x0  }
0x29: {  	s28 =	sadd.s32 s6, s28;
	s0 =	sand.u32 $0x300, s2;
	[sflag:s22] =	ssyncadd.s32 $0xFFFFC000  }
0x2a: {  	[spmem:s3] =	stream.indirect.scatter.add.f32 [tilespmem:s17], [sflag:$0x5], $0x80, s16, s19, $0xb8;
	[tilespmem:$0x1E900] =	vst v63  }
0x2b: {  	s0 =	sor.u32 s0, s28;
	_ =	swait.ge [sflag:s13], $0x4000  }
0x2c: {  	s0 =	sshrl.u32 s0, $0x3;
	[sflag:s13] =	ssyncset.done $0x0  }
0x2d: {  	s0 =	sadd.s32 s1, s0;
	[sflag:s13] =	ssyncadd.s32 $0xFFFFC000  }
0x2e: {  	[tilespmem:s16], [sflag:$0x3] =	stream.linear.gather [hbm4b:s0+s4], $0x80, $0x38;
	[tilespmem:$0x1E900] =	vst v63  }
0x2f: {  	s2 =	simm.s32 $0x100  }
0x30: {  	[tilespmem:s17], [sflag:$0x1] =	stream.indirect.gather [hbm4b:s5+s19], $0x80, s2, s19, $0xb8;
	[tilespmem:$0x1E900] =	vst v63  }
0x31: {  	s29 =	simm.s32 $0x180;
	s2 =	simm.s32 $0x100;
	_ =	swait.ge [sflag:s23], $0x80  }
0x32: {  	s30 =	simm.s32 $0x300;
	s0 =	sand.u32 $0x3C00, s2;
	[sflag:s23] =	ssyncset.done $0x0  }
0x33: {  	s29 =	sand.u32 $0x380, s29;
	s0 =	sadd.s32 s6, s0;
	[sflag:s23] =	ssyncadd.s32 $0xFFFFFF80  }
0x34: {  	s28 =	simm.s32 $0x200;
	s0 =	sor.u32 s0, s29;
	_ =	swait.ge [sflag:s24], $0x4000  }
0x35: {  	s29 =	simm.s32 $0x80;
	s31 =	sshrl.u32 s0, $0x3;
	[sflag:s24] =	ssyncset.done $0x0  }
.LBB2_2:
0x36: {  	[sflag:s24] =	ssyncadd.s32 $0xFFFFC000  }
0x37: {  	s29 =	sadd.s32 $0x100, s29;
	s2 =	smov.u32 s30;
	s0 =	sadd.s32 $0x100, s30  }
0x38: {  	[spmem:s3] =	stream.indirect.scatter.add.f32 [tilespmem:s20], [sflag:$0x5], $0x80, s18, s19, $0xb8;
	[tilespmem:$0x1E900] =	vst v63  }
0x39: {  	p0 =	sne.s32 s30, $0x2700;
	_ =	swait.ge [sflag:s13], $0x4000  }
0x3a: {  	s30 =	sadd.s32 s1, s31;
	[sflag:s13] =	ssyncset.done $0x0  }
0x3b: {  	[sflag:s13] =	ssyncadd.s32 $0xFFFFC000  }
0x3c: {  	[tilespmem:s18], [sflag:$0x4] =	stream.linear.gather [hbm4b:s30+s4], $0x80, $0x38;
	[tilespmem:$0x1E900] =	vst v63  }
0x3d: {  	_ = 	snop  }
0x3e: {  	[tilespmem:s20], [sflag:$0x2] =	stream.indirect.gather [hbm4b:s5+s19], $0x80, s29, s19, $0xb8;
	[tilespmem:$0x1E900] =	vst v63  }
0x3f: {  	_ =	swait.ge [sflag:s21], $0x80  }
0x40: {  	[sflag:s21] =	ssyncset.done $0x0  }
0x41: {  	[sflag:s21] =	ssyncadd.s32 $0xFFFFFF80  }
0x42: {  	_ =	swait.ge [sflag:s22], $0x4000  }
0x43: {  	s30 =	sand.u32 $0x7C00, s28;
	[sflag:s22] =	ssyncset.done $0x0  }
0x44: {  	s28 =	sand.u32 $0x300, s28;
	s30 =	sadd.s32 s6, s30;
	[sflag:s22] =	ssyncadd.s32 $0xFFFFC000  }
0x45: {  	[spmem:s3] =	stream.indirect.scatter.add.f32 [tilespmem:s17], [sflag:$0x5], $0x80, s16, s19, $0xb8;
	[tilespmem:$0x1E900] =	vst v63  }
0x46: {  	s30 =	sor.u32 s28, s30;
	s28 =	smov.u32 s2;
	_ =	swait.ge [sflag:s13], $0x4000  }
0x47: {  	s2 =	sshrl.u32 s30, $0x3;
	[sflag:s13] =	ssyncset.done $0x0  }
0x48: {  	s30 =	sadd.s32 $0x80, s29;
	s2 =	sadd.s32 s1, s2;
	[sflag:s13] =	ssyncadd.s32 $0xFFFFC000  }
0x49: {  	[tilespmem:s16], [sflag:$0x3] =	stream.linear.gather [hbm4b:s2+s4], $0x80, $0x38;
	[tilespmem:$0x1E900] =	vst v63  }
0x4a: {  	_ = 	snop  }
0x4b: {  	[tilespmem:s17], [sflag:$0x1] =	stream.indirect.gather [hbm4b:s5+s19], $0x80, s30, s19, $0xb8;
	[tilespmem:$0x1E900] =	vst v63  }
.Ltmp0:
0x4c: {  	s2 =	sadd.s32 $0xFFFFFF00, s28;
	_ =	swait.ge [sflag:s23], $0x80;
	(pc) =	sbr.rel @p0 .LBB2_2-.Ltmp0, $4  }
0x4d: {  	s2 =	sand.u32 $0x3C00, s2;
	s30 =	sadd.s32 $0xFFFFFF80, s28;
	[sflag:s23] =	ssyncset.done $0x0  }
0x4e: {  	s2 =	sadd.s32 s6, s2;
	s30 =	sand.u32 $0x380, s30;
	[sflag:s23] =	ssyncadd.s32 $0xFFFFFF80  }
0x4f: {  	s2 =	sor.u32 s2, s30;
	_ =	swait.ge [sflag:s24], $0x4000  }
0x50: {  	s30 =	smov.u32 s0;
	s31 =	sshrl.u32 s2, $0x3;
	[sflag:s24] =	ssyncset.done $0x0  }
0x51: {  	[sflag:s24] =	ssyncadd.s32 $0xFFFFC000  }
0x52: {  	[spmem:s3] =	stream.indirect.scatter.add.f32 [tilespmem:s20], [sflag:$0x5], $0x80, s18, s19, $0xb8;
	[tilespmem:$0x1E900] =	vst v63  }
0x53: {  	_ =	swait.ge [sflag:s13], $0x4000  }
0x54: {  	[sflag:s13] =	ssyncset.done $0x0  }
0x55: {  	s0 =	sadd.s32 s1, s31;
	[sflag:s13] =	ssyncadd.s32 $0xFFFFC000  }
0x56: {  	[tilespmem:s18], [sflag:$0x4] =	stream.linear.gather [hbm4b:s0+s4], $0x80, $0x38;
	[tilespmem:$0x1E900] =	vst v63  }
0x57: {  	s30 =	sadd.s32 $0x100, s29  }
0x58: {  	[tilespmem:s20], [sflag:$0x2] =	stream.indirect.gather [hbm4b:s5+s19], $0x80, s30, s19, $0xb8;
	[tilespmem:$0x1E900] =	vst v63  }
0x59: {  	_ =	swait.ge [sflag:s21], $0x80  }
0x5a: {  	[sflag:s21] =	ssyncset.done $0x0  }
0x5b: {  	[sflag:s21] =	ssyncadd.s32 $0xFFFFFF80  }
0x5c: {  	_ =	swait.ge [sflag:s22], $0x4000  }
0x5d: {  	s2 =	sand.u32 $0x7C00, s28;
	[sflag:s22] =	ssyncset.done $0x0  }
0x5e: {  	s31 =	sand.u32 $0x300, s28;
	s2 =	sadd.s32 s6, s2;
	[sflag:s22] =	ssyncadd.s32 $0xFFFFC000  }
0x5f: {  	[spmem:s3] =	stream.indirect.scatter.add.f32 [tilespmem:s17], [sflag:$0x5], $0x80, s16, s19, $0xb8;
	[tilespmem:$0x1E900] =	vst v63  }
0x60: {  	s2 =	sor.u32 s31, s2;
	_ =	swait.ge [sflag:s13], $0x4000  }
0x61: {  	s2 =	sshrl.u32 s2, $0x3;
	[sflag:s13] =	ssyncset.done $0x0  }
0x62: {  	s2 =	sadd.s32 s1, s2;
	[sflag:s13] =	ssyncadd.s32 $0xFFFFC000  }
0x63: {  	[tilespmem:s16], [sflag:$0x3] =	stream.linear.gather [hbm4b:s2+s4], $0x80, $0x38;
	[tilespmem:$0x1E900] =	vst v63  }
0x64: {  	s0 =	sadd.s32 $0x80, s30  }
0x65: {  	[tilespmem:s17], [sflag:$0x1] =	stream.indirect.gather [hbm4b:s5+s19], $0x80, s0, s19, $0xb8;
	[tilespmem:$0x1E900] =	vst v63  }
0x66: {  	_ =	swait.ge [sflag:s23], $0x80  }
0x67: {  	[sflag:s23] =	ssyncset.done $0x0  }
0x68: {  	[sflag:s23] =	ssyncadd.s32 $0xFFFFFF80  }
0x69: {  	_ =	swait.ge [sflag:s24], $0x4000  }
0x6a: {  	[sflag:s24] =	ssyncset.done $0x0  }
0x6b: {  	[sflag:s24] =	ssyncadd.s32 $0xFFFFC000  }
0x6c: {  	[spmem:s3] =	stream.indirect.scatter.add.f32 [tilespmem:s20], [sflag:$0x5], $0x80, s18, s19, $0xb8;
	[tilespmem:$0x1E900] =	vst v63  }
0x6d: {  	_ =	swait.ge [sflag:s13], $0x4000  }
0x6e: {  	[sflag:s13] =	ssyncset.done $0x0  }
0x6f: {  	[sflag:s13] =	ssyncadd.s32 $0xFFFFC000  }
0x70: {  	[tilespmem:s18], [sflag:$0x4] =	stream.linear.gather [hbm4b:s12+s4], $0x80, $0x38;
	[tilespmem:$0x1E900] =	vst v63  }
0x71: {  	_ = 	snop  }
0x72: {  	[tilespmem:s20], [sflag:$0x2] =	stream.indirect.gather [hbm4b:s5+s19], $0x80, s25, s19, $0xb8;
	[tilespmem:$0x1E900] =	vst v63  }
0x73: {  	_ =	swait.ge [sflag:s21], $0x80  }
0x74: {  	[sflag:s21] =	ssyncset.done $0x0  }
0x75: {  	[sflag:s21] =	ssyncadd.s32 $0xFFFFFF80  }
0x76: {  	_ =	swait.ge [sflag:s22], $0x4000  }
0x77: {  	[sflag:s22] =	ssyncset.done $0x0  }
0x78: {  	[sflag:s22] =	ssyncadd.s32 $0xFFFFC000  }
0x79: {  	[spmem:s3] =	stream.indirect.scatter.add.f32 [tilespmem:s17], [sflag:$0x5], $0x80, s16, s19, $0xb8;
	[tilespmem:$0x1E900] =	vst v63  }
0x7a: {  	_ =	swait.ge [sflag:s13], $0x4000  }
0x7b: {  	[sflag:s13] =	ssyncset.done $0x0  }
0x7c: {  	[sflag:s13] =	ssyncadd.s32 $0xFFFFC000  }
0x7d: {  	_ =	swait.ge [sflag:s23], $0x80  }
0x7e: {  	[sflag:s23] =	ssyncset.done $0x0  }
0x7f: {  	[sflag:s23] =	ssyncadd.s32 $0xFFFFFF80  }
0x80: {  	_ =	swait.ge [sflag:s24], $0x4000  }
0x81: {  	[sflag:s24] =	ssyncset.done $0x0  }
0x82: {  	[sflag:s24] =	ssyncadd.s32 $0xFFFFC000  }
0x83: {  	[spmem:s3] =	stream.indirect.scatter.add.f32 [tilespmem:s20], [sflag:$0x5], $0x80, s18, s19, $0xb8;
	[tilespmem:$0x1E900] =	vst v63  }
0x84: {  	_ =	swait.ge [sflag:s13], $0x4000  }
0x85: {  	s26 =	sadd.s32 $0x1, s26;
	[sflag:s13] =	ssyncset.done $0x0  }
0x86: {  	p0 =	sne.s32 s26, s11;
	[sflag:s13] =	ssyncadd.s32 $0xFFFFC000  }
.Ltmp1:
0x87: {  	[bflag:$0x0] =	sbarrier.arrive $0xFFFF;
	(pc) =	sbr.rel @p0 .LBB2_1-.Ltmp1, $4  }
0x88: {  	[hbm:s10], [sflag:s14] =	dma.local [spmem:s15], $0x2800  }
0x89: {  	_ =	swait.ge [sflag:s13], $0x2800  }
0x8a: {  	[sflag:s13] =	ssyncset.done $0x0  }
0x8b: {  	[sflag:s13] =	ssyncadd.s32 $0xFFFFD800  }
0x8c: {  	_ =	sfence.sel $0x180000  }
0x8d: {  	[bflag:$0x0] =	sbarrier.arrive $0xFFFF  }
0x8e: {  	_ =	strace $0x9000004A  }
0x8f: {  	s0 =	stileid.u32;
	[bflag:$0x2] =	sbarrier.arrive $0xFFFF  }
0x90: {  	p0 =	sne.s32 s0, $0x0;
	s0 =	rddreg [dreg:$0x4]  }
0x91: {  	s0 =	sadd.s32 @!p0 $0x100000, s0  }
0x92: {  	[sflag:s0] =	ssyncadd.tile.s32 @!p0 $0x1;
	_ =	shalt  }
.Lfunc_end2:
_tile_overlayer_lowered:
.L_overlay_start_2:
0x93: {  	(tag) =	ssettag $0x2  }
0x94: {  	s0 =	rddreg [dreg:$0x0];
	s2 =	stileid.u32  }
0x95: {  	s1 =	rddreg [dreg:$0x1];
	p0 =	sne.s32 s2, $0x0  }
0x96: {  	s3 =	rddreg [dreg:$0x2];
	[bflag:$0x3] =	sbarrier.arrive $0xFFFF;
	s2 =	simm.s32 @!p0 $0x1C05  }
0x97: {  	[timem:s3], [sflag:s2] =	dma.local @!p0 [hbm:s0], s1  }
0x98: {  	s0 =	simm.s32 @!p0 $0x5  }
0x99: {  	_ =	swait.ge @!p0 [sflag:s0], s1  }
0x9a: {  	s1 =	ssub.s32 @!p0 $0x0, s1;
	[sflag:s0] =	ssyncset.done @!p0 $0x0  }
0x9b: {  	[sflag:s0] =	ssyncadd.s32 @!p0 s1  }
0x9c: {  	[bflag:$0x3] =	sbarrier.arrive $0xFFFF  }
0x9d: {  	_ =	shalt  }

// kernel: kernel.16.cloned.1.call-start
scs
__scs_entry_jumppad:
0x0: {  	(pc) =	sbr.rel $0x88, $3  }
0x1: {  	(tag) =	ssettag $0x0;
	lr =	simm.s32 $0x1  }
0x2: {  	[smem:$0x3F97] =	sst lr;
	_ =	strace $0xD0000000  }
0x3: {  	_ = 	snop  }
0x4: {  	_ = 	snop  }
0x5: {  	_ = 	snop  }
0x6: {  	_ = 	snop  }
0x7: {  	_ = 	snop  }
__scs_overlays_trampoline_lowered:
0x8: {  	[smem:$0x3FA6] =	sst s0  }
0x9: {  	[smem:$0x3FA7] =	sst s1  }
0xa: {  	[smem:$0x3FA8] =	sst s2  }
0xb: {  	[smem:$0x3FA9] =	sst s3  }
0xc: {  	[smem:$0x3FAA] =	sst s4  }
0xd: {  	[smem:$0x3FAB] =	sst s5  }
0xe: {  	[smem:$0x3FAC] =	sst s6  }
0xf: {  	[smem:$0x3FAD] =	sst s7  }
0x10: {  	[smem:$0x3FAE] =	sst s8  }
0x11: {  	[smem:$0x3FAF] =	sst s9;
	s0 =	simm.s32 @!p0 $0x0  }
0x12: {  	s1 =	sld [smem:$0x3F95];
	s0 =	simm.s32 @p0 $0x1  }
0x13: {  	[smem:$0x3FB0] =	sst s0;
	s0 =	simm.s32 @!p1 $0x0  }
0x14: {  	s2 =	sld [smem:$0x3F94];
	s0 =	simm.s32 @p1 $0x1  }
0x15: {  	[smem:$0x3FB1] =	sst s0;
	s0 =	simm.s32 @!p2 $0x0  }
0x16: {  	s3 =	sld [smem:$0x3FDB];
	s0 =	simm.s32 @p2 $0x1  }
0x17: {  	s4 =	simm.s32 $0x1BF5;
	[smem:$0x3FB3] =	sst s0  }
0x18: {  	s0 =	sld [smem:$0x3F96];
	_ =	swait.ge [sflag:s4], $0x0  }
0x19: {  	s7 =	sld [smem:$0x3F97]  }
0x1a: {  	s8 =	sadd.s32 $0xFFFFE003, lr  }
0x1b: {  	s9 =	sadd.s32 $0xFFFFFEF7, lr;
	s5 =	simm.s32 $0xFFFFFFFF;
	p2 =	slt.u32 s8, $0xFFFFF086  }
0x1c: {  	p1 =	slt.u32 s9, $0xF7A;
	s5 =	simm.s32 @!p2 $0x0  }
0x1d: {  	s5 =	simm.s32 @p1 $0x1;
	p0 =	seq.s32 s7, s2  }
0x1e: {  	s7 =	smul.u32 @!p0 $0xF7A, s2;
	p2 =	seq.s32 @!p0 s5, $0x0  }
0x1f: {  	s9 =	smul.u32 $0xF7A, s1;
	s8 =	simm.s32 @!p0 $0x1BF5;
	p2 =	por !p2, p0  }
0x20: {  	[sflag:s8] =	ssyncset.s32 @!p0 $0xFFFFF086;
	s6 =	sadd.s32 @!p0 s3, s7;
	s7 =	simm.s32 @!p0 $0x108  }
0x21: {  	s3 =	sadd.s32 s3, s9;
	s6 =	sadd.s32 @!p0 $0x88, s6;
	s7 =	simm.s32 @p2 $0x1082  }
0x22: {  	[simem:s7], [sflag:s8] =	dma.local @!p0 [hbm:s6], $0xF7A  }
0x23: {  	s9 =	sor.u32 $0xD0000000, s2;
	s6 =	simm.s32 $0x108;
	_ =	swait.ge @!p0 [sflag:s8], $0x0  }
0x24: {  	s3 =	sadd.s32 $0x88, s3;
	s6 =	simm.s32 @!p1 $0x1082;
	[sflag:s4] =	ssyncset.s32 $0xFFFFF086  }
0x25: {  	[simem:s6], [sflag:s4] =	dma.local [hbm:s3], $0xF7A  }
0x26: {  	[smem:$0x3F97] =	sst s1;
	(tag) =	ssettag s2;
	_ =	strace s9  }
0x27: {  	s1 =	sld [smem:$0x3FA7]  }
0x28: {  	s2 =	sld [smem:$0x3FA8]  }
0x29: {  	s4 =	sld [smem:$0x3FAA]  }
0x2a: {  	p0 =	seq.s32 s5, $0x0;
	s5 =	sld [smem:$0x3FAB]  }
0x2b: {  	s6 =	sld [smem:$0x3FAC]  }
0x2c: {  	s7 =	sld [smem:$0x3FAD]  }
0x2d: {  	s3 =	simm.s32 $0x108;
	s8 =	sld [smem:$0x3FAE]  }
0x2e: {  	s3 =	simm.s32 @!p0 $0x1082;
	s9 =	sld [smem:$0x3FAF]  }
0x2f: {  	lr =	sadd.s32 s0, s3;
	s0 =	sld [smem:$0x3FA6]  }
0x30: {  	s3 =	sld [smem:$0x3FA9]  }
0x31: {  	[smem:$0x3FB2] =	sst s10  }
0x32: {  	s10 =	sld [smem:$0x3FB0];
	_ =	sdelay $0x3  }
0x33: {  	p0 =	seq.s32 s10, $0x1;
	s10 =	sld [smem:$0x3FB2];
	_ =	sdelay $0x3  }
0x34: {  	[smem:$0x3FB2] =	sst s10  }
0x35: {  	s10 =	sld [smem:$0x3FB1];
	_ =	sdelay $0x3  }
0x36: {  	p1 =	seq.s32 s10, $0x1;
	s10 =	sld [smem:$0x3FB2];
	_ =	sdelay $0x3  }
0x37: {  	[smem:$0x3FB2] =	sst s10  }
0x38: {  	s10 =	sld [smem:$0x3FB3]  }
0x39: {  	_ = 	snop;
	(pc) =	sbr.ind lr, $3  }
0x3a: {  	_ = 	snop  }
0x3b: {  	_ = 	snop  }
0x3c: {  	p2 =	seq.s32 s10, $0x1;
	s10 =	sld [smem:$0x3FB2]  }
0x3d: {  	_ =	shalt  }
0x3e: {  	_ =	shalt  }
0x3f: {  	_ =	shalt  }
0x40: {  	_ =	shalt  }
0x41: {  	_ =	shalt  }
0x42: {  	_ =	shalt  }
0x43: {  	_ =	shalt  }
0x44: {  	_ =	shalt  }
0x45: {  	_ =	shalt  }
0x46: {  	_ =	shalt  }
0x47: {  	_ =	shalt  }
0x48: {  	_ =	shalt  }
0x49: {  	_ =	shalt  }
0x4a: {  	_ =	shalt  }
0x4b: {  	_ =	shalt  }
0x4c: {  	_ =	shalt  }
0x4d: {  	_ =	shalt  }
0x4e: {  	_ =	shalt  }
0x4f: {  	_ =	shalt  }
0x50: {  	_ =	shalt  }
0x51: {  	_ =	shalt  }
0x52: {  	_ =	shalt  }
0x53: {  	_ =	shalt  }
0x54: {  	_ =	shalt  }
0x55: {  	_ =	shalt  }
0x56: {  	_ =	shalt  }
0x57: {  	_ =	shalt  }
0x58: {  	_ =	shalt  }
0x59: {  	_ =	shalt  }
0x5a: {  	_ =	shalt  }
0x5b: {  	_ =	shalt  }
0x5c: {  	_ =	shalt  }
0x5d: {  	_ =	shalt  }
0x5e: {  	_ =	shalt  }
0x5f: {  	_ =	shalt  }
0x60: {  	_ =	shalt  }
0x61: {  	_ =	shalt  }
0x62: {  	_ =	shalt  }
0x63: {  	_ =	shalt  }
0x64: {  	_ =	shalt  }
0x65: {  	_ =	shalt  }
0x66: {  	_ =	shalt  }
0x67: {  	_ =	shalt  }
0x68: {  	_ =	shalt  }
0x69: {  	_ =	shalt  }
0x6a: {  	_ =	shalt  }
0x6b: {  	_ =	shalt  }
0x6c: {  	_ =	shalt  }
0x6d: {  	_ =	shalt  }
0x6e: {  	_ =	shalt  }
0x6f: {  	_ =	shalt  }
0x70: {  	_ =	shalt  }
0x71: {  	_ =	shalt  }
0x72: {  	_ =	shalt  }
0x73: {  	_ =	shalt  }
0x74: {  	_ =	shalt  }
0x75: {  	_ =	shalt  }
0x76: {  	_ =	shalt  }
0x77: {  	_ =	shalt  }
0x78: {  	_ =	shalt  }
0x79: {  	_ =	shalt  }
0x7a: {  	_ =	shalt  }
0x7b: {  	_ =	shalt  }
0x7c: {  	_ =	shalt  }
0x7d: {  	_ =	shalt  }
0x7e: {  	_ =	shalt  }
0x7f: {  	_ =	shalt  }
0x80: {  	_ =	shalt  }
0x81: {  	_ =	shalt  }
0x82: {  	_ =	shalt  }
0x83: {  	_ =	shalt  }
0x84: {  	_ =	shalt  }
0x85: {  	_ =	shalt  }
0x86: {  	_ =	shalt  }
0x87: {  	_ =	shalt  }
.Lfunc_end0:
.L_simem_size_0:
called_computation.2_lowered:
.L_overlay_start_0:
0x88: {  	s2 =	sld [smem:$0x3FD9]  }
0x89: {  	s3 =	sld [smem:$0x3FFE];
	_ =	sdelay $0x1  }
0x8a: {  	s1 =	srdreg.scid  }
0x8b: {  	s0 =	sand.u32 $0x1, s1  }
0x8c: {  	s14 =	sshll.u32 s0, $0xA;
	s2 =	sadd.s32 s3, s2  }
0x8d: {  	s2 =	sadd.s32 s2, s14  }
0x8e: {  	[smem:$0x3FBE] =	sst s2  }
0x8f: {  	_ = 	snop  }
0x90: {  	s2 =	sld [smem:$0x3FD0];
	_ =	sdelay $0x2  }
0x91: {  	s15 =	simm.s32 $0xA;
	s4 =	simm.s32 $0x10  }
0x92: {  	[smem:s4], [sflag:s15] =	dma.local [hbm:s2], $0x1  }
0x93: {  	_ =	swait.eq [sflag:s15], $0x1  }
0x94: {  	[sflag:s15] =	ssyncset.done $0x0  }
0x95: {  	s16 =	sld [smem:$0x10];
	[sflag:s15] =	ssyncadd.s32 $0xFFFFFFFF  }
0x96: {  	s17 =	sld [smem:$0x11];
	(tm) =	ssettm $0x1  }
0x97: {  	s18 =	sld [smem:$0x3FFB];
	_ =	sdelay $0x3  }
0x98: {  	_ =	strace s18  }
0x99: {  	s4 =	sld [smem:$0x3FFC];
	_ =	sdelay $0x3  }
0x9a: {  	_ =	strace s4  }
0x9b: {  	s4 =	sld [smem:$0x3FFD];
	_ =	sdelay $0x3  }
0x9c: {  	_ =	strace s4  }
0x9d: {  	_ =	strace $0x8FFFFFFF  }
0x9e: {  	s19 =	sld [smem:$0x3FDB];
	_ =	sdelay $0x1  }
0x9f: {  	s5 =	simm.s32 $_scs_section_size  }
0xa0: {  	s6 =	simm.s32 $_size__tile_overlayer_lowered;
	s7 =	simm.s32 $_tile_overlayer_lowered  }
0xa1: {  	s22 =	simm.s32 $0x1BFF;
	s21 =	sshll.u32 s7, $0x1;
	s4 =	sadd.s32 s5, s19  }
0xa2: {  	s8 =	simm.s32 $0x0;
	s20 =	sshll.u32 s6, $0x1;
	s6 =	sadd.s32 s21, s4  }
0xa3: {  	[timem:s8], [sflag:s22] =	dma.local [hbm:s6], s20  }
0xa4: {  	_ =	swait.ge [sflag:s22], s20  }
0xa5: {  	s5 =	ssub.s32 $0x0, s20;
	[sflag:s22] =	ssyncset.done $0x0  }
0xa6: {  	[sflag:s22] =	ssyncadd.s32 s5;
	_ =	sdelay $0x1  }
0xa7: {  	s23 =	simm.s32 $0x1B8B  }
0xa8: {  	_ =	swait.ge [sflag:s23], $0x1  }
0xa9: {  	[sflag:s23] =	ssyncset.done $0x0  }
0xaa: {  	s25 =	simm.s32 $0x1B8E;
	s24 =	sld [smem:$0x3FFE];
	[sflag:s23] =	ssyncadd.s32 $0xFFFFFFFF  }
0xab: {  	s26 =	simm.s32 $execute0_lowered;
	[smem:$0x3FD2] =	sst s25  }
0xac: {  	s6 =	sshll.u32 s26, $0x1;
	_ =	strace $0x8000004C;
	[dreg:$0x1] =	wrdreg $0xFFFFFFFF  }
0xad: {  	s28 =	simm.s32 $_size_execute0_lowered;
	s4 =	sadd.s32 s4, s6;
	[dreg:$0x0] =	wrdreg $0x0  }
0xae: {  	s6 =	sshll.u32 s28, $0x1;
	[dreg:$0x2] =	wrdreg s4  }
0xaf: {  	[dreg:$0x3] =	wrdreg s6  }
0xb0: {  	[dreg:$0x4] =	wrdreg $0xC0  }
0xb1: {  	_ =	task [dreg:s8], $0x5FFFF  }
0xb2: {  	[dreg:$0x1] =	wrdreg $0xFFFFFFFF  }
0xb3: {  	[dreg:$0x0] =	wrdreg $0x60  }
0xb4: {  	[dreg:$0x2] =	wrdreg s16  }
0xb5: {  	[dreg:$0x3] =	wrdreg s17  }
0xb6: {  	[dreg:$0x4] =	wrdreg s24  }
0xb7: {  	[dreg:$0x5] =	wrdreg $0xA9000  }
0xb8: {  	[dreg:$0x6] =	wrdreg $0x9  }
0xb9: {  	_ =	task.clear_ibuf [dreg:s8], $0x7FFFF;
	_ =	strace $0x9000004C  }
0xba: {  	s29 =	simm.s32 $0x9;
	_ =	strace $0x8000004E  }
0xbb: {  	_ =	swait.ge [sflag:s29], $0x1  }
0xbc: {  	[sflag:s29] =	ssyncadd.s32 $0xFFFFFFFF  }
0xbd: {  	_ =	strace $0x9000004E  }
0xbe: {  	_ =	sfence  }
0xbf: {  	s30 =	sld [smem:$0x0];
	_ =	sdelay $0x2  }
0xc0: {  	s31 =	sshll.u32 s1, $0xD;
	s1 =	sshrl.u32 s1, $0x2  }
0xc1: {  	s3 =	sand.u32 $0x4000, s31;
	s1 =	sadd.s32 s1, s30  }
0xc2: {  	s0 =	sor.u32 s3, s0;
	s1 =	sshll.u32 s1, $0x11  }
0xc3: {  	s0 =	sor.u32 s1, s0  }
0xc4: {  	s0 =	sadd.s32 $0x8F2B, s0  }
0xc5: {  	[sflag:s0] =	ssyncadd.remote.s32 $0x1  }
0xc6: {  	_ =	sfence.sel $0xFFFF  }
0xc7: {  	[dreg:$0x0] =	wrdreg $0xFFFFFFFF;
	(pc) =	sbr.abs _section_cstart, $3  }
0xc8: {  	[dreg:$0x1] =	wrdreg $0xFFFFFFFF  }
0xc9: {  	_ =	task.clear_ibuf [dreg:s8], $0x2FFFF;
	_ =	strace $0x9FFFFFFF  }
0xca: {  	(tm) =	ssettm $0x7FFFFFFF  }
0xcb: {  	_ =	shalt  }
tec
execute0_lowered:
.L_overlay_start_1:
0x0: {  	(tag) =	ssettag $0x1  }
0x1: {  	s0 =	rddreg [dreg:$0x0]  }
0x2: {  	s1 =	rddreg [dreg:$0x1]  }
0x3: {  	s7 =	rddreg [dreg:$0x2]  }
0x4: {  	s3 =	rddreg [dreg:$0x3]  }
0x5: {  	s4 =	simm.s32 $0x0;
	s2 =	stileid.u32;
	s5 =	srdreg.scid  }
0x6: {  	s16 =	simm.s32 $0x2800;
	s17 =	simm.s32 $0x2900;
	s18 =	simm.s32 $0x2880  }
0x7: {  	s19 =	simm.s32 $0x80;
	s20 =	simm.s32 $0x6900;
	s21 =	simm.s32 $0x3  }
0x8: {  	s22 =	simm.s32 $0x1;
	s23 =	simm.s32 $0x4;
	s24 =	simm.s32 $0x2  }
0x9: {  	s25 =	simm.s32 $0x2780;
	s26 =	simm.s32 $0x0;
	[smem:$0x7FF] =	sst s4  }
0xa: {  	s6 =	smul.u32 $0x14000, s2;
	s8 =	sand.u32 $0x1, s5;
	s10 =	sshll.u32 s2, $0x1  }
0xb: {  	s5 =	sadd.s32 $0x2BA00, s7;
	s28 =	smul.u32 $0x50000, s2;
	s14 =	sshll.u32 s2, $0x6  }
0xc: {  	_ =	strace $0x8000004D;
	s9 =	smul.u32 $0x140000, s8;
	s10 =	sor.u32 s8, s10  }
0xd: {  	s8 =	ssub.s32 $0x2, s8;
	s14 =	sor.u32 $0x1C05, s14;
	s11 =	sshrl.u32 s6, $0x3  }
0xe: {  	s29 =	sshrl.u32 s8, $0x1;
	s31 =	sshrl.u32 s28, $0x2;
	s11 =	sadd.s32 s11, s7  }
0xf: {  	s9 =	sadd.s32 s6, s9;
	s6 =	smul.u32 $0x2800, s10;
	s13 =	ssub.s32 s8, s29  }
0x10: {  	s9 =	sshrl.u32 s9, $0x3;
	s8 =	sadd.s32 $0x3A00, s11;
	s11 =	smax.u32 s13, $0x1  }
0x11: {  	s13 =	simm.s32 $0x5;
	s12 =	sadd.s32 s9, s7;
	s30 =	sshrl.u32 s6, $0x3  }
0x12: {  	s7 =	sadd.s32 s0, s30;
	s0 =	sadd.s32 s31, s3;
	s9 =	sadd.s32 s1, s30  }
0x13: {  	s10 =	sadd.s32 $0x53A00, s12;
	s12 =	sadd.s32 $0x4F0, s9;
	s15 =	sshrl.u32 s0, $0x3  }
.LBB2_1:
0x14: {  	[tilespmem:s4], [sflag:$0x5] =	stream.linear.gather [hbm4b:s7+s4], $0x2800, $0x38;
	[tilespmem:$0x1E900] =	vst v63  }
0x15: {  	_ =	swait.ge [sflag:s13], $0x2800  }
0x16: {  	[sflag:s13] =	ssyncset.done $0x0  }
0x17: {  	[sflag:s13] =	ssyncadd.s32 $0xFFFFD800  }
0x18: {  	[spmem:s15], [sflag:s14] =	dma.local [hbm:s8], $0x2800  }
0x19: {  	s0 =	simm.s32 $0x0;
	_ =	swait.ge [sflag:s13], $0x2800  }
0x1a: {  	s28 =	simm.s32 $0x80;
	s0 =	sand.u32 $0x3C00, s0;
	[sflag:s13] =	ssyncset.done $0x0  }
0x1b: {  	s28 =	sand.u32 $0x380, s28;
	s0 =	sadd.s32 s6, s0;
	[sflag:s13] =	ssyncadd.s32 $0xFFFFD800  }
0x1c: {  	s0 =	sor.u32 s0, s28;
	[bflag:$0x0] =	sbarrier.arrive $0xFFFF  }
0x1d: {  	[tilespmem:s16], [sflag:$0x3] =	stream.linear.gather [hbm4b:s9+s4], $0x80, $0x38;
	[tilespmem:$0x1E900] =	vst v63  }
0x1e: {  	s0 =	sshrl.u32 s0, $0x3  }
0x1f: {  	[tilespmem:s17], [sflag:$0x1] =	stream.indirect.gather [hbm4b:s5+s19], $0x80, s4, s19, $0xb8;
	[tilespmem:$0x1E900] =	vst v63  }
0x20: {  	s0 =	sadd.s32 s1, s0  }
0x21: {  	[tilespmem:s18], [sflag:$0x4] =	stream.linear.gather [hbm4b:s0+s4], $0x80, $0x38;
	[tilespmem:$0x1E900] =	vst v63  }
0x22: {  	_ = 	snop  }
0x23: {  	[tilespmem:s20], [sflag:$0x2] =	stream.indirect.gather [hbm4b:s5+s19], $0x80, s19, s19, $0xb8;
	[tilespmem:$0x1E900] =	vst v63  }
0x24: {  	_ =	swait.ge [sflag:s21], $0x80  }
0x25: {  	[sflag:s21] =	ssyncset.done $0x0  }
0x26: {  	[sflag:s21] =	ssyncadd.s32 $0xFFFFFF80  }
0x27: {  	s2 =	simm.s32 $0x100;
	_ =	swait.ge [sflag:s22], $0x4000  }
0x28: {  	s28 =	sand.u32 $0x7C00, s2;
	[sflag:s22] =	ssyncset.done $0x0  }
0x29: {  	s28 =	sadd.s32 s6, s28;
	s0 =	sand.u32 $0x300, s2;
	[sflag:s22] =	ssyncadd.s32 $0xFFFFC000  }
0x2a: {  	[spmem:s3] =	stream.indirect.scatter.add.f32 [tilespmem:s17], [sflag:$0x5], $0x80, s16, s19, $0xb8;
	[tilespmem:$0x1E900] =	vst v63  }
0x2b: {  	s0 =	sor.u32 s0, s28;
	_ =	swait.ge [sflag:s13], $0x4000  }
0x2c: {  	s0 =	sshrl.u32 s0, $0x3;
	[sflag:s13] =	ssyncset.done $0x0  }
0x2d: {  	s0 =	sadd.s32 s1, s0;
	[sflag:s13] =	ssyncadd.s32 $0xFFFFC000  }
0x2e: {  	[tilespmem:s16], [sflag:$0x3] =	stream.linear.gather [hbm4b:s0+s4], $0x80, $0x38;
	[tilespmem:$0x1E900] =	vst v63  }
0x2f: {  	s2 =	simm.s32 $0x100  }
0x30: {  	[tilespmem:s17], [sflag:$0x1] =	stream.indirect.gather [hbm4b:s5+s19], $0x80, s2, s19, $0xb8;
	[tilespmem:$0x1E900] =	vst v63  }
0x31: {  	s29 =	simm.s32 $0x180;
	s2 =	simm.s32 $0x100;
	_ =	swait.ge [sflag:s23], $0x80  }
0x32: {  	s30 =	simm.s32 $0x300;
	s0 =	sand.u32 $0x3C00, s2;
	[sflag:s23] =	ssyncset.done $0x0  }
0x33: {  	s29 =	sand.u32 $0x380, s29;
	s0 =	sadd.s32 s6, s0;
	[sflag:s23] =	ssyncadd.s32 $0xFFFFFF80  }
0x34: {  	s28 =	simm.s32 $0x200;
	s0 =	sor.u32 s0, s29;
	_ =	swait.ge [sflag:s24], $0x4000  }
0x35: {  	s29 =	simm.s32 $0x80;
	s31 =	sshrl.u32 s0, $0x3;
	[sflag:s24] =	ssyncset.done $0x0  }
.LBB2_2:
0x36: {  	[sflag:s24] =	ssyncadd.s32 $0xFFFFC000  }
0x37: {  	s29 =	sadd.s32 $0x100, s29;
	s2 =	smov.u32 s30;
	s0 =	sadd.s32 $0x100, s30  }
0x38: {  	[spmem:s3] =	stream.indirect.scatter.add.f32 [tilespmem:s20], [sflag:$0x5], $0x80, s18, s19, $0xb8;
	[tilespmem:$0x1E900] =	vst v63  }
0x39: {  	p0 =	sne.s32 s30, $0x2700;
	_ =	swait.ge [sflag:s13], $0x4000  }
0x3a: {  	s30 =	sadd.s32 s1, s31;
	[sflag:s13] =	ssyncset.done $0x0  }
0x3b: {  	[sflag:s13] =	ssyncadd.s32 $0xFFFFC000  }
0x3c: {  	[tilespmem:s18], [sflag:$0x4] =	stream.linear.gather [hbm4b:s30+s4], $0x80, $0x38;
	[tilespmem:$0x1E900] =	vst v63  }
0x3d: {  	_ = 	snop  }
0x3e: {  	[tilespmem:s20], [sflag:$0x2] =	stream.indirect.gather [hbm4b:s5+s19], $0x80, s29, s19, $0xb8;
	[tilespmem:$0x1E900] =	vst v63  }
0x3f: {  	_ =	swait.ge [sflag:s21], $0x80  }
0x40: {  	[sflag:s21] =	ssyncset.done $0x0  }
0x41: {  	[sflag:s21] =	ssyncadd.s32 $0xFFFFFF80  }
0x42: {  	_ =	swait.ge [sflag:s22], $0x4000  }
0x43: {  	s30 =	sand.u32 $0x7C00, s28;
	[sflag:s22] =	ssyncset.done $0x0  }
0x44: {  	s28 =	sand.u32 $0x300, s28;
	s30 =	sadd.s32 s6, s30;
	[sflag:s22] =	ssyncadd.s32 $0xFFFFC000  }
0x45: {  	[spmem:s3] =	stream.indirect.scatter.add.f32 [tilespmem:s17], [sflag:$0x5], $0x80, s16, s19, $0xb8;
	[tilespmem:$0x1E900] =	vst v63  }
0x46: {  	s30 =	sor.u32 s28, s30;
	s28 =	smov.u32 s2;
	_ =	swait.ge [sflag:s13], $0x4000  }
0x47: {  	s2 =	sshrl.u32 s30, $0x3;
	[sflag:s13] =	ssyncset.done $0x0  }
0x48: {  	s30 =	sadd.s32 $0x80, s29;
	s2 =	sadd.s32 s1, s2;
	[sflag:s13] =	ssyncadd.s32 $0xFFFFC000  }
0x49: {  	[tilespmem:s16], [sflag:$0x3] =	stream.linear.gather [hbm4b:s2+s4], $0x80, $0x38;
	[tilespmem:$0x1E900] =	vst v63  }
0x4a: {  	_ = 	snop  }
0x4b: {  	[tilespmem:s17], [sflag:$0x1] =	stream.indirect.gather [hbm4b:s5+s19], $0x80, s30, s19, $0xb8;
	[tilespmem:$0x1E900] =	vst v63  }
.Ltmp0:
0x4c: {  	s2 =	sadd.s32 $0xFFFFFF00, s28;
	_ =	swait.ge [sflag:s23], $0x80;
	(pc) =	sbr.rel @p0 .LBB2_2-.Ltmp0, $4  }
0x4d: {  	s2 =	sand.u32 $0x3C00, s2;
	s30 =	sadd.s32 $0xFFFFFF80, s28;
	[sflag:s23] =	ssyncset.done $0x0  }
0x4e: {  	s2 =	sadd.s32 s6, s2;
	s30 =	sand.u32 $0x380, s30;
	[sflag:s23] =	ssyncadd.s32 $0xFFFFFF80  }
0x4f: {  	s2 =	sor.u32 s2, s30;
	_ =	swait.ge [sflag:s24], $0x4000  }
0x50: {  	s30 =	smov.u32 s0;
	s31 =	sshrl.u32 s2, $0x3;
	[sflag:s24] =	ssyncset.done $0x0  }
0x51: {  	[sflag:s24] =	ssyncadd.s32 $0xFFFFC000  }
0x52: {  	[spmem:s3] =	stream.indirect.scatter.add.f32 [tilespmem:s20], [sflag:$0x5], $0x80, s18, s19, $0xb8;
	[tilespmem:$0x1E900] =	vst v63  }
0x53: {  	_ =	swait.ge [sflag:s13], $0x4000  }
0x54: {  	[sflag:s13] =	ssyncset.done $0x0  }
0x55: {  	s0 =	sadd.s32 s1, s31;
	[sflag:s13] =	ssyncadd.s32 $0xFFFFC000  }
0x56: {  	[tilespmem:s18], [sflag:$0x4] =	stream.linear.gather [hbm4b:s0+s4], $0x80, $0x38;
	[tilespmem:$0x1E900] =	vst v63  }
0x57: {  	s30 =	sadd.s32 $0x100, s29  }
0x58: {  	[tilespmem:s20], [sflag:$0x2] =	stream.indirect.gather [hbm4b:s5+s19], $0x80, s30, s19, $0xb8;
	[tilespmem:$0x1E900] =	vst v63  }
0x59: {  	_ =	swait.ge [sflag:s21], $0x80  }
0x5a: {  	[sflag:s21] =	ssyncset.done $0x0  }
0x5b: {  	[sflag:s21] =	ssyncadd.s32 $0xFFFFFF80  }
0x5c: {  	_ =	swait.ge [sflag:s22], $0x4000  }
0x5d: {  	s2 =	sand.u32 $0x7C00, s28;
	[sflag:s22] =	ssyncset.done $0x0  }
0x5e: {  	s31 =	sand.u32 $0x300, s28;
	s2 =	sadd.s32 s6, s2;
	[sflag:s22] =	ssyncadd.s32 $0xFFFFC000  }
0x5f: {  	[spmem:s3] =	stream.indirect.scatter.add.f32 [tilespmem:s17], [sflag:$0x5], $0x80, s16, s19, $0xb8;
	[tilespmem:$0x1E900] =	vst v63  }
0x60: {  	s2 =	sor.u32 s31, s2;
	_ =	swait.ge [sflag:s13], $0x4000  }
0x61: {  	s2 =	sshrl.u32 s2, $0x3;
	[sflag:s13] =	ssyncset.done $0x0  }
0x62: {  	s2 =	sadd.s32 s1, s2;
	[sflag:s13] =	ssyncadd.s32 $0xFFFFC000  }
0x63: {  	[tilespmem:s16], [sflag:$0x3] =	stream.linear.gather [hbm4b:s2+s4], $0x80, $0x38;
	[tilespmem:$0x1E900] =	vst v63  }
0x64: {  	s0 =	sadd.s32 $0x80, s30  }
0x65: {  	[tilespmem:s17], [sflag:$0x1] =	stream.indirect.gather [hbm4b:s5+s19], $0x80, s0, s19, $0xb8;
	[tilespmem:$0x1E900] =	vst v63  }
0x66: {  	_ =	swait.ge [sflag:s23], $0x80  }
0x67: {  	[sflag:s23] =	ssyncset.done $0x0  }
0x68: {  	[sflag:s23] =	ssyncadd.s32 $0xFFFFFF80  }
0x69: {  	_ =	swait.ge [sflag:s24], $0x4000  }
0x6a: {  	[sflag:s24] =	ssyncset.done $0x0  }
0x6b: {  	[sflag:s24] =	ssyncadd.s32 $0xFFFFC000  }
0x6c: {  	[spmem:s3] =	stream.indirect.scatter.add.f32 [tilespmem:s20], [sflag:$0x5], $0x80, s18, s19, $0xb8;
	[tilespmem:$0x1E900] =	vst v63  }
0x6d: {  	_ =	swait.ge [sflag:s13], $0x4000  }
0x6e: {  	[sflag:s13] =	ssyncset.done $0x0  }
0x6f: {  	[sflag:s13] =	ssyncadd.s32 $0xFFFFC000  }
0x70: {  	[tilespmem:s18], [sflag:$0x4] =	stream.linear.gather [hbm4b:s12+s4], $0x80, $0x38;
	[tilespmem:$0x1E900] =	vst v63  }
0x71: {  	_ = 	snop  }
0x72: {  	[tilespmem:s20], [sflag:$0x2] =	stream.indirect.gather [hbm4b:s5+s19], $0x80, s25, s19, $0xb8;
	[tilespmem:$0x1E900] =	vst v63  }
0x73: {  	_ =	swait.ge [sflag:s21], $0x80  }
0x74: {  	[sflag:s21] =	ssyncset.done $0x0  }
0x75: {  	[sflag:s21] =	ssyncadd.s32 $0xFFFFFF80  }
0x76: {  	_ =	swait.ge [sflag:s22], $0x4000  }
0x77: {  	[sflag:s22] =	ssyncset.done $0x0  }
0x78: {  	[sflag:s22] =	ssyncadd.s32 $0xFFFFC000  }
0x79: {  	[spmem:s3] =	stream.indirect.scatter.add.f32 [tilespmem:s17], [sflag:$0x5], $0x80, s16, s19, $0xb8;
	[tilespmem:$0x1E900] =	vst v63  }
0x7a: {  	_ =	swait.ge [sflag:s13], $0x4000  }
0x7b: {  	[sflag:s13] =	ssyncset.done $0x0  }
0x7c: {  	[sflag:s13] =	ssyncadd.s32 $0xFFFFC000  }
0x7d: {  	_ =	swait.ge [sflag:s23], $0x80  }
0x7e: {  	[sflag:s23] =	ssyncset.done $0x0  }
0x7f: {  	[sflag:s23] =	ssyncadd.s32 $0xFFFFFF80  }
0x80: {  	_ =	swait.ge [sflag:s24], $0x4000  }
0x81: {  	[sflag:s24] =	ssyncset.done $0x0  }
0x82: {  	[sflag:s24] =	ssyncadd.s32 $0xFFFFC000  }
0x83: {  	[spmem:s3] =	stream.indirect.scatter.add.f32 [tilespmem:s20], [sflag:$0x5], $0x80, s18, s19, $0xb8;
	[tilespmem:$0x1E900] =	vst v63  }
0x84: {  	_ =	swait.ge [sflag:s13], $0x4000  }
0x85: {  	s26 =	sadd.s32 $0x1, s26;
	[sflag:s13] =	ssyncset.done $0x0  }
0x86: {  	p0 =	sne.s32 s26, s11;
	[sflag:s13] =	ssyncadd.s32 $0xFFFFC000  }
.Ltmp1:
0x87: {  	[bflag:$0x0] =	sbarrier.arrive $0xFFFF;
	(pc) =	sbr.rel @p0 .LBB2_1-.Ltmp1, $4  }
0x88: {  	[hbm:s10], [sflag:s14] =	dma.local [spmem:s15], $0x2800  }
0x89: {  	_ =	swait.ge [sflag:s13], $0x2800  }
0x8a: {  	[sflag:s13] =	ssyncset.done $0x0  }
0x8b: {  	[sflag:s13] =	ssyncadd.s32 $0xFFFFD800  }
0x8c: {  	_ =	sfence.sel $0x180000  }
0x8d: {  	[bflag:$0x0] =	sbarrier.arrive $0xFFFF  }
0x8e: {  	_ =	strace $0x9000004D  }
0x8f: {  	s0 =	stileid.u32;
	[bflag:$0x2] =	sbarrier.arrive $0xFFFF  }
0x90: {  	p0 =	sne.s32 s0, $0x0;
	s0 =	rddreg [dreg:$0x4]  }
0x91: {  	s0 =	sadd.s32 @!p0 $0x100000, s0  }
0x92: {  	[sflag:s0] =	ssyncadd.tile.s32 @!p0 $0x1;
	_ =	shalt  }
.Lfunc_end2:
_tile_overlayer_lowered:
.L_overlay_start_2:
0x93: {  	(tag) =	ssettag $0x2  }
0x94: {  	s0 =	rddreg [dreg:$0x0];
	s2 =	stileid.u32  }
0x95: {  	s1 =	rddreg [dreg:$0x1];
	p0 =	sne.s32 s2, $0x0  }
0x96: {  	s3 =	rddreg [dreg:$0x2];
	[bflag:$0x3] =	sbarrier.arrive $0xFFFF;
	s2 =	simm.s32 @!p0 $0x1C05  }
0x97: {  	[timem:s3], [sflag:s2] =	dma.local @!p0 [hbm:s0], s1  }
0x98: {  	s0 =	simm.s32 @!p0 $0x5  }
0x99: {  	_ =	swait.ge @!p0 [sflag:s0], s1  }
0x9a: {  	s1 =	ssub.s32 @!p0 $0x0, s1;
	[sflag:s0] =	ssyncset.done @!p0 $0x0  }
0x9b: {  	[sflag:s0] =	ssyncadd.s32 @!p0 s1  }
0x9c: {  	[bflag:$0x3] =	sbarrier.arrive $0xFFFF  }
0x9d: {  	_ =	shalt  }

// kernel: kernel.19.cloned.1.call-start
scs
__scs_entry_jumppad:
0x0: {  	(pc) =	sbr.rel $0x88, $3  }
0x1: {  	(tag) =	ssettag $0x0;
	lr =	simm.s32 $0x1  }
0x2: {  	[smem:$0x3F97] =	sst lr;
	_ =	strace $0xD0000000  }
0x3: {  	_ = 	snop  }
0x4: {  	_ = 	snop  }
0x5: {  	_ = 	snop  }
0x6: {  	_ = 	snop  }
0x7: {  	_ = 	snop  }
__scs_overlays_trampoline_lowered:
0x8: {  	[smem:$0x3FA6] =	sst s0  }
0x9: {  	[smem:$0x3FA7] =	sst s1  }
0xa: {  	[smem:$0x3FA8] =	sst s2  }
0xb: {  	[smem:$0x3FA9] =	sst s3  }
0xc: {  	[smem:$0x3FAA] =	sst s4  }
0xd: {  	[smem:$0x3FAB] =	sst s5  }
0xe: {  	[smem:$0x3FAC] =	sst s6  }
0xf: {  	[smem:$0x3FAD] =	sst s7  }
0x10: {  	[smem:$0x3FAE] =	sst s8  }
0x11: {  	[smem:$0x3FAF] =	sst s9;
	s0 =	simm.s32 @!p0 $0x0  }
0x12: {  	s1 =	sld [smem:$0x3F95];
	s0 =	simm.s32 @p0 $0x1  }
0x13: {  	[smem:$0x3FB0] =	sst s0;
	s0 =	simm.s32 @!p1 $0x0  }
0x14: {  	s2 =	sld [smem:$0x3F94];
	s0 =	simm.s32 @p1 $0x1  }
0x15: {  	[smem:$0x3FB1] =	sst s0;
	s0 =	simm.s32 @!p2 $0x0  }
0x16: {  	s3 =	sld [smem:$0x3FDB];
	s0 =	simm.s32 @p2 $0x1  }
0x17: {  	s4 =	simm.s32 $0x1BF5;
	[smem:$0x3FB3] =	sst s0  }
0x18: {  	s0 =	sld [smem:$0x3F96];
	_ =	swait.ge [sflag:s4], $0x0  }
0x19: {  	s7 =	sld [smem:$0x3F97]  }
0x1a: {  	s8 =	sadd.s32 $0xFFFFE003, lr  }
0x1b: {  	s9 =	sadd.s32 $0xFFFFFEF7, lr;
	s5 =	simm.s32 $0xFFFFFFFF;
	p2 =	slt.u32 s8, $0xFFFFF086  }
0x1c: {  	p1 =	slt.u32 s9, $0xF7A;
	s5 =	simm.s32 @!p2 $0x0  }
0x1d: {  	s5 =	simm.s32 @p1 $0x1;
	p0 =	seq.s32 s7, s2  }
0x1e: {  	s7 =	smul.u32 @!p0 $0xF7A, s2;
	p2 =	seq.s32 @!p0 s5, $0x0  }
0x1f: {  	s9 =	smul.u32 $0xF7A, s1;
	s8 =	simm.s32 @!p0 $0x1BF5;
	p2 =	por !p2, p0  }
0x20: {  	[sflag:s8] =	ssyncset.s32 @!p0 $0xFFFFF086;
	s6 =	sadd.s32 @!p0 s3, s7;
	s7 =	simm.s32 @!p0 $0x108  }
0x21: {  	s3 =	sadd.s32 s3, s9;
	s6 =	sadd.s32 @!p0 $0x88, s6;
	s7 =	simm.s32 @p2 $0x1082  }
0x22: {  	[simem:s7], [sflag:s8] =	dma.local @!p0 [hbm:s6], $0xF7A  }
0x23: {  	s9 =	sor.u32 $0xD0000000, s2;
	s6 =	simm.s32 $0x108;
	_ =	swait.ge @!p0 [sflag:s8], $0x0  }
0x24: {  	s3 =	sadd.s32 $0x88, s3;
	s6 =	simm.s32 @!p1 $0x1082;
	[sflag:s4] =	ssyncset.s32 $0xFFFFF086  }
0x25: {  	[simem:s6], [sflag:s4] =	dma.local [hbm:s3], $0xF7A  }
0x26: {  	[smem:$0x3F97] =	sst s1;
	(tag) =	ssettag s2;
	_ =	strace s9  }
0x27: {  	s1 =	sld [smem:$0x3FA7]  }
0x28: {  	s2 =	sld [smem:$0x3FA8]  }
0x29: {  	s4 =	sld [smem:$0x3FAA]  }
0x2a: {  	p0 =	seq.s32 s5, $0x0;
	s5 =	sld [smem:$0x3FAB]  }
0x2b: {  	s6 =	sld [smem:$0x3FAC]  }
0x2c: {  	s7 =	sld [smem:$0x3FAD]  }
0x2d: {  	s3 =	simm.s32 $0x108;
	s8 =	sld [smem:$0x3FAE]  }
0x2e: {  	s3 =	simm.s32 @!p0 $0x1082;
	s9 =	sld [smem:$0x3FAF]  }
0x2f: {  	lr =	sadd.s32 s0, s3;
	s0 =	sld [smem:$0x3FA6]  }
0x30: {  	s3 =	sld [smem:$0x3FA9]  }
0x31: {  	[smem:$0x3FB2] =	sst s10  }
0x32: {  	s10 =	sld [smem:$0x3FB0];
	_ =	sdelay $0x3  }
0x33: {  	p0 =	seq.s32 s10, $0x1;
	s10 =	sld [smem:$0x3FB2];
	_ =	sdelay $0x3  }
0x34: {  	[smem:$0x3FB2] =	sst s10  }
0x35: {  	s10 =	sld [smem:$0x3FB1];
	_ =	sdelay $0x3  }
0x36: {  	p1 =	seq.s32 s10, $0x1;
	s10 =	sld [smem:$0x3FB2];
	_ =	sdelay $0x3  }
0x37: {  	[smem:$0x3FB2] =	sst s10  }
0x38: {  	s10 =	sld [smem:$0x3FB3]  }
0x39: {  	_ = 	snop;
	(pc) =	sbr.ind lr, $3  }
0x3a: {  	_ = 	snop  }
0x3b: {  	_ = 	snop  }
0x3c: {  	p2 =	seq.s32 s10, $0x1;
	s10 =	sld [smem:$0x3FB2]  }
0x3d: {  	_ =	shalt  }
0x3e: {  	_ =	shalt  }
0x3f: {  	_ =	shalt  }
0x40: {  	_ =	shalt  }
0x41: {  	_ =	shalt  }
0x42: {  	_ =	shalt  }
0x43: {  	_ =	shalt  }
0x44: {  	_ =	shalt  }
0x45: {  	_ =	shalt  }
0x46: {  	_ =	shalt  }
0x47: {  	_ =	shalt  }
0x48: {  	_ =	shalt  }
0x49: {  	_ =	shalt  }
0x4a: {  	_ =	shalt  }
0x4b: {  	_ =	shalt  }
0x4c: {  	_ =	shalt  }
0x4d: {  	_ =	shalt  }
0x4e: {  	_ =	shalt  }
0x4f: {  	_ =	shalt  }
0x50: {  	_ =	shalt  }
0x51: {  	_ =	shalt  }
0x52: {  	_ =	shalt  }
0x53: {  	_ =	shalt  }
0x54: {  	_ =	shalt  }
0x55: {  	_ =	shalt  }
0x56: {  	_ =	shalt  }
0x57: {  	_ =	shalt  }
0x58: {  	_ =	shalt  }
0x59: {  	_ =	shalt  }
0x5a: {  	_ =	shalt  }
0x5b: {  	_ =	shalt  }
0x5c: {  	_ =	shalt  }
0x5d: {  	_ =	shalt  }
0x5e: {  	_ =	shalt  }
0x5f: {  	_ =	shalt  }
0x60: {  	_ =	shalt  }
0x61: {  	_ =	shalt  }
0x62: {  	_ =	shalt  }
0x63: {  	_ =	shalt  }
0x64: {  	_ =	shalt  }
0x65: {  	_ =	shalt  }
0x66: {  	_ =	shalt  }
0x67: {  	_ =	shalt  }
0x68: {  	_ =	shalt  }
0x69: {  	_ =	shalt  }
0x6a: {  	_ =	shalt  }
0x6b: {  	_ =	shalt  }
0x6c: {  	_ =	shalt  }
0x6d: {  	_ =	shalt  }
0x6e: {  	_ =	shalt  }
0x6f: {  	_ =	shalt  }
0x70: {  	_ =	shalt  }
0x71: {  	_ =	shalt  }
0x72: {  	_ =	shalt  }
0x73: {  	_ =	shalt  }
0x74: {  	_ =	shalt  }
0x75: {  	_ =	shalt  }
0x76: {  	_ =	shalt  }
0x77: {  	_ =	shalt  }
0x78: {  	_ =	shalt  }
0x79: {  	_ =	shalt  }
0x7a: {  	_ =	shalt  }
0x7b: {  	_ =	shalt  }
0x7c: {  	_ =	shalt  }
0x7d: {  	_ =	shalt  }
0x7e: {  	_ =	shalt  }
0x7f: {  	_ =	shalt  }
0x80: {  	_ =	shalt  }
0x81: {  	_ =	shalt  }
0x82: {  	_ =	shalt  }
0x83: {  	_ =	shalt  }
0x84: {  	_ =	shalt  }
0x85: {  	_ =	shalt  }
0x86: {  	_ =	shalt  }
0x87: {  	_ =	shalt  }
.Lfunc_end0:
.L_simem_size_0:
called_computation.3_lowered:
.L_overlay_start_0:
0x88: {  	s2 =	sld [smem:$0x3FD9]  }
0x89: {  	s3 =	sld [smem:$0x3FFE];
	_ =	sdelay $0x1  }
0x8a: {  	s1 =	srdreg.scid  }
0x8b: {  	s0 =	sand.u32 $0x1, s1  }
0x8c: {  	s14 =	sshll.u32 s0, $0xA;
	s2 =	sadd.s32 s3, s2  }
0x8d: {  	s2 =	sadd.s32 s2, s14  }
0x8e: {  	[smem:$0x3FBE] =	sst s2  }
0x8f: {  	_ = 	snop  }
0x90: {  	s2 =	sld [smem:$0x3FD0];
	_ =	sdelay $0x2  }
0x91: {  	s15 =	simm.s32 $0xA;
	s4 =	simm.s32 $0x10  }
0x92: {  	[smem:s4], [sflag:s15] =	dma.local [hbm:s2], $0x1  }
0x93: {  	_ =	swait.eq [sflag:s15], $0x1  }
0x94: {  	[sflag:s15] =	ssyncset.done $0x0  }
0x95: {  	s16 =	sld [smem:$0x10];
	[sflag:s15] =	ssyncadd.s32 $0xFFFFFFFF  }
0x96: {  	s17 =	sld [smem:$0x11];
	(tm) =	ssettm $0x1  }
0x97: {  	s18 =	sld [smem:$0x3FFB];
	_ =	sdelay $0x3  }
0x98: {  	_ =	strace s18  }
0x99: {  	s4 =	sld [smem:$0x3FFC];
	_ =	sdelay $0x3  }
0x9a: {  	_ =	strace s4  }
0x9b: {  	s4 =	sld [smem:$0x3FFD];
	_ =	sdelay $0x3  }
0x9c: {  	_ =	strace s4  }
0x9d: {  	_ =	strace $0x8FFFFFFF  }
0x9e: {  	s19 =	sld [smem:$0x3FDB];
	_ =	sdelay $0x1  }
0x9f: {  	s5 =	simm.s32 $_scs_section_size  }
0xa0: {  	s6 =	simm.s32 $_size__tile_overlayer_lowered;
	s7 =	simm.s32 $_tile_overlayer_lowered  }
0xa1: {  	s22 =	simm.s32 $0x1BFF;
	s21 =	sshll.u32 s7, $0x1;
	s4 =	sadd.s32 s5, s19  }
0xa2: {  	s8 =	simm.s32 $0x0;
	s20 =	sshll.u32 s6, $0x1;
	s6 =	sadd.s32 s21, s4  }
0xa3: {  	[timem:s8], [sflag:s22] =	dma.local [hbm:s6], s20  }
0xa4: {  	_ =	swait.ge [sflag:s22], s20  }
0xa5: {  	s5 =	ssub.s32 $0x0, s20;
	[sflag:s22] =	ssyncset.done $0x0  }
0xa6: {  	[sflag:s22] =	ssyncadd.s32 s5;
	_ =	sdelay $0x1  }
0xa7: {  	s23 =	simm.s32 $0x1B8B  }
0xa8: {  	_ =	swait.ge [sflag:s23], $0x1  }
0xa9: {  	[sflag:s23] =	ssyncset.done $0x0  }
0xaa: {  	s25 =	simm.s32 $0x1B8E;
	s24 =	sld [smem:$0x3FFE];
	[sflag:s23] =	ssyncadd.s32 $0xFFFFFFFF  }
0xab: {  	s26 =	simm.s32 $execute0_lowered;
	[smem:$0x3FD2] =	sst s25  }
0xac: {  	s6 =	sshll.u32 s26, $0x1;
	_ =	strace $0x8000004F;
	[dreg:$0x1] =	wrdreg $0xFFFFFFFF  }
0xad: {  	s28 =	simm.s32 $_size_execute0_lowered;
	s4 =	sadd.s32 s4, s6;
	[dreg:$0x0] =	wrdreg $0x0  }
0xae: {  	s6 =	sshll.u32 s28, $0x1;
	[dreg:$0x2] =	wrdreg s4  }
0xaf: {  	[dreg:$0x3] =	wrdreg s6  }
0xb0: {  	[dreg:$0x4] =	wrdreg $0xC0  }
0xb1: {  	_ =	task [dreg:s8], $0x5FFFF  }
0xb2: {  	[dreg:$0x1] =	wrdreg $0xFFFFFFFF  }
0xb3: {  	[dreg:$0x0] =	wrdreg $0x60  }
0xb4: {  	[dreg:$0x2] =	wrdreg s16  }
0xb5: {  	[dreg:$0x3] =	wrdreg s17  }
0xb6: {  	[dreg:$0x4] =	wrdreg s24  }
0xb7: {  	[dreg:$0x5] =	wrdreg $0xA9000  }
0xb8: {  	[dreg:$0x6] =	wrdreg $0x9  }
0xb9: {  	_ =	task.clear_ibuf [dreg:s8], $0x7FFFF;
	_ =	strace $0x9000004F  }
0xba: {  	s29 =	simm.s32 $0x9;
	_ =	strace $0x80000051  }
0xbb: {  	_ =	swait.ge [sflag:s29], $0x1  }
0xbc: {  	[sflag:s29] =	ssyncadd.s32 $0xFFFFFFFF  }
0xbd: {  	_ =	strace $0x90000051  }
0xbe: {  	_ =	sfence  }
0xbf: {  	s30 =	sld [smem:$0x0];
	_ =	sdelay $0x2  }
0xc0: {  	s31 =	sshll.u32 s1, $0xD;
	s1 =	sshrl.u32 s1, $0x2  }
0xc1: {  	s3 =	sand.u32 $0x4000, s31;
	s1 =	sadd.s32 s1, s30  }
0xc2: {  	s0 =	sor.u32 s3, s0;
	s1 =	sshll.u32 s1, $0x11  }
0xc3: {  	s0 =	sor.u32 s1, s0  }
0xc4: {  	s0 =	sadd.s32 $0x8F2B, s0  }
0xc5: {  	[sflag:s0] =	ssyncadd.remote.s32 $0x1  }
0xc6: {  	_ =	sfence.sel $0xFFFF  }
0xc7: {  	[dreg:$0x0] =	wrdreg $0xFFFFFFFF;
	(pc) =	sbr.abs _section_cstart, $3  }
0xc8: {  	[dreg:$0x1] =	wrdreg $0xFFFFFFFF  }
0xc9: {  	_ =	task.clear_ibuf [dreg:s8], $0x2FFFF;
	_ =	strace $0x9FFFFFFF  }
0xca: {  	(tm) =	ssettm $0x7FFFFFFF  }
0xcb: {  	_ =	shalt  }
tec
execute0_lowered:
.L_overlay_start_1:
0x0: {  	(tag) =	ssettag $0x1  }
0x1: {  	s0 =	rddreg [dreg:$0x0]  }
0x2: {  	s1 =	rddreg [dreg:$0x1]  }
0x3: {  	s7 =	rddreg [dreg:$0x2]  }
0x4: {  	s3 =	rddreg [dreg:$0x3]  }
0x5: {  	s4 =	simm.s32 $0x0;
	s2 =	stileid.u32;
	s5 =	srdreg.scid  }
0x6: {  	s16 =	simm.s32 $0x2800;
	s17 =	simm.s32 $0x2900;
	s18 =	simm.s32 $0x2880  }
0x7: {  	s19 =	simm.s32 $0x80;
	s20 =	simm.s32 $0x6900;
	s21 =	simm.s32 $0x3  }
0x8: {  	s22 =	simm.s32 $0x1;
	s23 =	simm.s32 $0x4;
	s24 =	simm.s32 $0x2  }
0x9: {  	s25 =	simm.s32 $0x2780;
	s26 =	simm.s32 $0x0;
	[smem:$0x7FF] =	sst s4  }
0xa: {  	s6 =	smul.u32 $0x14000, s2;
	s8 =	sand.u32 $0x1, s5;
	s10 =	sshll.u32 s2, $0x1  }
0xb: {  	s5 =	sadd.s32 $0x2BA00, s7;
	s28 =	smul.u32 $0x50000, s2;
	s14 =	sshll.u32 s2, $0x6  }
0xc: {  	_ =	strace $0x80000050;
	s9 =	smul.u32 $0x140000, s8;
	s10 =	sor.u32 s8, s10  }
0xd: {  	s8 =	ssub.s32 $0x2, s8;
	s14 =	sor.u32 $0x1C05, s14;
	s11 =	sshrl.u32 s6, $0x3  }
0xe: {  	s29 =	sshrl.u32 s8, $0x1;
	s31 =	sshrl.u32 s28, $0x2;
	s11 =	sadd.s32 s11, s7  }
0xf: {  	s9 =	sadd.s32 s6, s9;
	s6 =	smul.u32 $0x2800, s10;
	s13 =	ssub.s32 s8, s29  }
0x10: {  	s9 =	sshrl.u32 s9, $0x3;
	s8 =	sadd.s32 $0x3A00, s11;
	s11 =	smax.u32 s13, $0x1  }
0x11: {  	s13 =	simm.s32 $0x5;
	s12 =	sadd.s32 s9, s7;
	s30 =	sshrl.u32 s6, $0x3  }
0x12: {  	s7 =	sadd.s32 s0, s30;
	s0 =	sadd.s32 s31, s3;
	s9 =	sadd.s32 s1, s30  }
0x13: {  	s10 =	sadd.s32 $0x53A00, s12;
	s12 =	sadd.s32 $0x4F0, s9;
	s15 =	sshrl.u32 s0, $0x3  }
.LBB2_1:
0x14: {  	[tilespmem:s4], [sflag:$0x5] =	stream.linear.gather [hbm4b:s7+s4], $0x2800, $0x38;
	[tilespmem:$0x1E900] =	vst v63  }
0x15: {  	_ =	swait.ge [sflag:s13], $0x2800  }
0x16: {  	[sflag:s13] =	ssyncset.done $0x0  }
0x17: {  	[sflag:s13] =	ssyncadd.s32 $0xFFFFD800  }
0x18: {  	[spmem:s15], [sflag:s14] =	dma.local [hbm:s8], $0x2800  }
0x19: {  	s0 =	simm.s32 $0x0;
	_ =	swait.ge [sflag:s13], $0x2800  }
0x1a: {  	s28 =	simm.s32 $0x80;
	s0 =	sand.u32 $0x3C00, s0;
	[sflag:s13] =	ssyncset.done $0x0  }
0x1b: {  	s28 =	sand.u32 $0x380, s28;
	s0 =	sadd.s32 s6, s0;
	[sflag:s13] =	ssyncadd.s32 $0xFFFFD800  }
0x1c: {  	s0 =	sor.u32 s0, s28;
	[bflag:$0x0] =	sbarrier.arrive $0xFFFF  }
0x1d: {  	[tilespmem:s16], [sflag:$0x3] =	stream.linear.gather [hbm4b:s9+s4], $0x80, $0x38;
	[tilespmem:$0x1E900] =	vst v63  }
0x1e: {  	s0 =	sshrl.u32 s0, $0x3  }
0x1f: {  	[tilespmem:s17], [sflag:$0x1] =	stream.indirect.gather [hbm4b:s5+s19], $0x80, s4, s19, $0xb8;
	[tilespmem:$0x1E900] =	vst v63  }
0x20: {  	s0 =	sadd.s32 s1, s0  }
0x21: {  	[tilespmem:s18], [sflag:$0x4] =	stream.linear.gather [hbm4b:s0+s4], $0x80, $0x38;
	[tilespmem:$0x1E900] =	vst v63  }
0x22: {  	_ = 	snop  }
0x23: {  	[tilespmem:s20], [sflag:$0x2] =	stream.indirect.gather [hbm4b:s5+s19], $0x80, s19, s19, $0xb8;
	[tilespmem:$0x1E900] =	vst v63  }
0x24: {  	_ =	swait.ge [sflag:s21], $0x80  }
0x25: {  	[sflag:s21] =	ssyncset.done $0x0  }
0x26: {  	[sflag:s21] =	ssyncadd.s32 $0xFFFFFF80  }
0x27: {  	s2 =	simm.s32 $0x100;
	_ =	swait.ge [sflag:s22], $0x4000  }
0x28: {  	s28 =	sand.u32 $0x7C00, s2;
	[sflag:s22] =	ssyncset.done $0x0  }
0x29: {  	s28 =	sadd.s32 s6, s28;
	s0 =	sand.u32 $0x300, s2;
	[sflag:s22] =	ssyncadd.s32 $0xFFFFC000  }
0x2a: {  	[spmem:s3] =	stream.indirect.scatter.add.f32 [tilespmem:s17], [sflag:$0x5], $0x80, s16, s19, $0xb8;
	[tilespmem:$0x1E900] =	vst v63  }
0x2b: {  	s0 =	sor.u32 s0, s28;
	_ =	swait.ge [sflag:s13], $0x4000  }
0x2c: {  	s0 =	sshrl.u32 s0, $0x3;
	[sflag:s13] =	ssyncset.done $0x0  }
0x2d: {  	s0 =	sadd.s32 s1, s0;
	[sflag:s13] =	ssyncadd.s32 $0xFFFFC000  }
0x2e: {  	[tilespmem:s16], [sflag:$0x3] =	stream.linear.gather [hbm4b:s0+s4], $0x80, $0x38;
	[tilespmem:$0x1E900] =	vst v63  }
0x2f: {  	s2 =	simm.s32 $0x100  }
0x30: {  	[tilespmem:s17], [sflag:$0x1] =	stream.indirect.gather [hbm4b:s5+s19], $0x80, s2, s19, $0xb8;
	[tilespmem:$0x1E900] =	vst v63  }
0x31: {  	s29 =	simm.s32 $0x180;
	s2 =	simm.s32 $0x100;
	_ =	swait.ge [sflag:s23], $0x80  }
0x32: {  	s30 =	simm.s32 $0x300;
	s0 =	sand.u32 $0x3C00, s2;
	[sflag:s23] =	ssyncset.done $0x0  }
0x33: {  	s29 =	sand.u32 $0x380, s29;
	s0 =	sadd.s32 s6, s0;
	[sflag:s23] =	ssyncadd.s32 $0xFFFFFF80  }
0x34: {  	s28 =	simm.s32 $0x200;
	s0 =	sor.u32 s0, s29;
	_ =	swait.ge [sflag:s24], $0x4000  }
0x35: {  	s29 =	simm.s32 $0x80;
	s31 =	sshrl.u32 s0, $0x3;
	[sflag:s24] =	ssyncset.done $0x0  }
.LBB2_2:
0x36: {  	[sflag:s24] =	ssyncadd.s32 $0xFFFFC000  }
0x37: {  	s29 =	sadd.s32 $0x100, s29;
	s2 =	smov.u32 s30;
	s0 =	sadd.s32 $0x100, s30  }
0x38: {  	[spmem:s3] =	stream.indirect.scatter.add.f32 [tilespmem:s20], [sflag:$0x5], $0x80, s18, s19, $0xb8;
	[tilespmem:$0x1E900] =	vst v63  }
0x39: {  	p0 =	sne.s32 s30, $0x2700;
	_ =	swait.ge [sflag:s13], $0x4000  }
0x3a: {  	s30 =	sadd.s32 s1, s31;
	[sflag:s13] =	ssyncset.done $0x0  }
0x3b: {  	[sflag:s13] =	ssyncadd.s32 $0xFFFFC000  }
0x3c: {  	[tilespmem:s18], [sflag:$0x4] =	stream.linear.gather [hbm4b:s30+s4], $0x80, $0x38;
	[tilespmem:$0x1E900] =	vst v63  }
0x3d: {  	_ = 	snop  }
0x3e: {  	[tilespmem:s20], [sflag:$0x2] =	stream.indirect.gather [hbm4b:s5+s19], $0x80, s29, s19, $0xb8;
	[tilespmem:$0x1E900] =	vst v63  }
0x3f: {  	_ =	swait.ge [sflag:s21], $0x80  }
0x40: {  	[sflag:s21] =	ssyncset.done $0x0  }
0x41: {  	[sflag:s21] =	ssyncadd.s32 $0xFFFFFF80  }
0x42: {  	_ =	swait.ge [sflag:s22], $0x4000  }
0x43: {  	s30 =	sand.u32 $0x7C00, s28;
	[sflag:s22] =	ssyncset.done $0x0  }
0x44: {  	s28 =	sand.u32 $0x300, s28;
	s30 =	sadd.s32 s6, s30;
	[sflag:s22] =	ssyncadd.s32 $0xFFFFC000  }
0x45: {  	[spmem:s3] =	stream.indirect.scatter.add.f32 [tilespmem:s17], [sflag:$0x5], $0x80, s16, s19, $0xb8;
	[tilespmem:$0x1E900] =	vst v63  }
0x46: {  	s30 =	sor.u32 s28, s30;
	s28 =	smov.u32 s2;
	_ =	swait.ge [sflag:s13], $0x4000  }
0x47: {  	s2 =	sshrl.u32 s30, $0x3;
	[sflag:s13] =	ssyncset.done $0x0  }
0x48: {  	s30 =	sadd.s32 $0x80, s29;
	s2 =	sadd.s32 s1, s2;
	[sflag:s13] =	ssyncadd.s32 $0xFFFFC000  }
0x49: {  	[tilespmem:s16], [sflag:$0x3] =	stream.linear.gather [hbm4b:s2+s4], $0x80, $0x38;
	[tilespmem:$0x1E900] =	vst v63  }
0x4a: {  	_ = 	snop  }
0x4b: {  	[tilespmem:s17], [sflag:$0x1] =	stream.indirect.gather [hbm4b:s5+s19], $0x80, s30, s19, $0xb8;
	[tilespmem:$0x1E900] =	vst v63  }
.Ltmp0:
0x4c: {  	s2 =	sadd.s32 $0xFFFFFF00, s28;
	_ =	swait.ge [sflag:s23], $0x80;
	(pc) =	sbr.rel @p0 .LBB2_2-.Ltmp0, $4  }
0x4d: {  	s2 =	sand.u32 $0x3C00, s2;
	s30 =	sadd.s32 $0xFFFFFF80, s28;
	[sflag:s23] =	ssyncset.done $0x0  }
0x4e: {  	s2 =	sadd.s32 s6, s2;
	s30 =	sand.u32 $0x380, s30;
	[sflag:s23] =	ssyncadd.s32 $0xFFFFFF80  }
0x4f: {  	s2 =	sor.u32 s2, s30;
	_ =	swait.ge [sflag:s24], $0x4000  }
0x50: {  	s30 =	smov.u32 s0;
	s31 =	sshrl.u32 s2, $0x3;
	[sflag:s24] =	ssyncset.done $0x0  }
0x51: {  	[sflag:s24] =	ssyncadd.s32 $0xFFFFC000  }
0x52: {  	[spmem:s3] =	stream.indirect.scatter.add.f32 [tilespmem:s20], [sflag:$0x5], $0x80, s18, s19, $0xb8;
	[tilespmem:$0x1E900] =	vst v63  }
0x53: {  	_ =	swait.ge [sflag:s13], $0x4000  }
0x54: {  	[sflag:s13] =	ssyncset.done $0x0  }
0x55: {  	s0 =	sadd.s32 s1, s31;
	[sflag:s13] =	ssyncadd.s32 $0xFFFFC000  }
0x56: {  	[tilespmem:s18], [sflag:$0x4] =	stream.linear.gather [hbm4b:s0+s4], $0x80, $0x38;
	[tilespmem:$0x1E900] =	vst v63  }
0x57: {  	s30 =	sadd.s32 $0x100, s29  }
0x58: {  	[tilespmem:s20], [sflag:$0x2] =	stream.indirect.gather [hbm4b:s5+s19], $0x80, s30, s19, $0xb8;
	[tilespmem:$0x1E900] =	vst v63  }
0x59: {  	_ =	swait.ge [sflag:s21], $0x80  }
0x5a: {  	[sflag:s21] =	ssyncset.done $0x0  }
0x5b: {  	[sflag:s21] =	ssyncadd.s32 $0xFFFFFF80  }
0x5c: {  	_ =	swait.ge [sflag:s22], $0x4000  }
0x5d: {  	s2 =	sand.u32 $0x7C00, s28;
	[sflag:s22] =	ssyncset.done $0x0  }
0x5e: {  	s31 =	sand.u32 $0x300, s28;
	s2 =	sadd.s32 s6, s2;
	[sflag:s22] =	ssyncadd.s32 $0xFFFFC000  }
0x5f: {  	[spmem:s3] =	stream.indirect.scatter.add.f32 [tilespmem:s17], [sflag:$0x5], $0x80, s16, s19, $0xb8;
	[tilespmem:$0x1E900] =	vst v63  }
0x60: {  	s2 =	sor.u32 s31, s2;
	_ =	swait.ge [sflag:s13], $0x4000  }
0x61: {  	s2 =	sshrl.u32 s2, $0x3;
	[sflag:s13] =	ssyncset.done $0x0  }
0x62: {  	s2 =	sadd.s32 s1, s2;
	[sflag:s13] =	ssyncadd.s32 $0xFFFFC000  }
0x63: {  	[tilespmem:s16], [sflag:$0x3] =	stream.linear.gather [hbm4b:s2+s4], $0x80, $0x38;
	[tilespmem:$0x1E900] =	vst v63  }
0x64: {  	s0 =	sadd.s32 $0x80, s30  }
0x65: {  	[tilespmem:s17], [sflag:$0x1] =	stream.indirect.gather [hbm4b:s5+s19], $0x80, s0, s19, $0xb8;
	[tilespmem:$0x1E900] =	vst v63  }
0x66: {  	_ =	swait.ge [sflag:s23], $0x80  }
0x67: {  	[sflag:s23] =	ssyncset.done $0x0  }
0x68: {  	[sflag:s23] =	ssyncadd.s32 $0xFFFFFF80  }
0x69: {  	_ =	swait.ge [sflag:s24], $0x4000  }
0x6a: {  	[sflag:s24] =	ssyncset.done $0x0  }
0x6b: {  	[sflag:s24] =	ssyncadd.s32 $0xFFFFC000  }
0x6c: {  	[spmem:s3] =	stream.indirect.scatter.add.f32 [tilespmem:s20], [sflag:$0x5], $0x80, s18, s19, $0xb8;
	[tilespmem:$0x1E900] =	vst v63  }
0x6d: {  	_ =	swait.ge [sflag:s13], $0x4000  }
0x6e: {  	[sflag:s13] =	ssyncset.done $0x0  }
0x6f: {  	[sflag:s13] =	ssyncadd.s32 $0xFFFFC000  }
0x70: {  	[tilespmem:s18], [sflag:$0x4] =	stream.linear.gather [hbm4b:s12+s4], $0x80, $0x38;
	[tilespmem:$0x1E900] =	vst v63  }
0x71: {  	_ = 	snop  }
0x72: {  	[tilespmem:s20], [sflag:$0x2] =	stream.indirect.gather [hbm4b:s5+s19], $0x80, s25, s19, $0xb8;
	[tilespmem:$0x1E900] =	vst v63  }
0x73: {  	_ =	swait.ge [sflag:s21], $0x80  }
0x74: {  	[sflag:s21] =	ssyncset.done $0x0  }
0x75: {  	[sflag:s21] =	ssyncadd.s32 $0xFFFFFF80  }
0x76: {  	_ =	swait.ge [sflag:s22], $0x4000  }
0x77: {  	[sflag:s22] =	ssyncset.done $0x0  }
0x78: {  	[sflag:s22] =	ssyncadd.s32 $0xFFFFC000  }
0x79: {  	[spmem:s3] =	stream.indirect.scatter.add.f32 [tilespmem:s17], [sflag:$0x5], $0x80, s16, s19, $0xb8;
	[tilespmem:$0x1E900] =	vst v63  }
0x7a: {  	_ =	swait.ge [sflag:s13], $0x4000  }
0x7b: {  	[sflag:s13] =	ssyncset.done $0x0  }
0x7c: {  	[sflag:s13] =	ssyncadd.s32 $0xFFFFC000  }
0x7d: {  	_ =	swait.ge [sflag:s23], $0x80  }
0x7e: {  	[sflag:s23] =	ssyncset.done $0x0  }
0x7f: {  	[sflag:s23] =	ssyncadd.s32 $0xFFFFFF80  }
0x80: {  	_ =	swait.ge [sflag:s24], $0x4000  }
0x81: {  	[sflag:s24] =	ssyncset.done $0x0  }
0x82: {  	[sflag:s24] =	ssyncadd.s32 $0xFFFFC000  }
0x83: {  	[spmem:s3] =	stream.indirect.scatter.add.f32 [tilespmem:s20], [sflag:$0x5], $0x80, s18, s19, $0xb8;
	[tilespmem:$0x1E900] =	vst v63  }
0x84: {  	_ =	swait.ge [sflag:s13], $0x4000  }
0x85: {  	s26 =	sadd.s32 $0x1, s26;
	[sflag:s13] =	ssyncset.done $0x0  }
0x86: {  	p0 =	sne.s32 s26, s11;
	[sflag:s13] =	ssyncadd.s32 $0xFFFFC000  }
.Ltmp1:
0x87: {  	[bflag:$0x0] =	sbarrier.arrive $0xFFFF;
	(pc) =	sbr.rel @p0 .LBB2_1-.Ltmp1, $4  }
0x88: {  	[hbm:s10], [sflag:s14] =	dma.local [spmem:s15], $0x2800  }
0x89: {  	_ =	swait.ge [sflag:s13], $0x2800  }
0x8a: {  	[sflag:s13] =	ssyncset.done $0x0  }
0x8b: {  	[sflag:s13] =	ssyncadd.s32 $0xFFFFD800  }
0x8c: {  	_ =	sfence.sel $0x180000  }
0x8d: {  	[bflag:$0x0] =	sbarrier.arrive $0xFFFF  }
0x8e: {  	_ =	strace $0x90000050  }
0x8f: {  	s0 =	stileid.u32;
	[bflag:$0x2] =	sbarrier.arrive $0xFFFF  }
0x90: {  	p0 =	sne.s32 s0, $0x0;
	s0 =	rddreg [dreg:$0x4]  }
0x91: {  	s0 =	sadd.s32 @!p0 $0x100000, s0  }
0x92: {  	[sflag:s0] =	ssyncadd.tile.s32 @!p0 $0x1;
	_ =	shalt  }
.Lfunc_end2:
_tile_overlayer_lowered:
.L_overlay_start_2:
0x93: {  	(tag) =	ssettag $0x2  }
0x94: {  	s0 =	rddreg [dreg:$0x0];
	s2 =	stileid.u32  }
0x95: {  	s1 =	rddreg [dreg:$0x1];
	p0 =	sne.s32 s2, $0x0  }
0x96: {  	s3 =	rddreg [dreg:$0x2];
	[bflag:$0x3] =	sbarrier.arrive $0xFFFF;
	s2 =	simm.s32 @!p0 $0x1C05  }
0x97: {  	[timem:s3], [sflag:s2] =	dma.local @!p0 [hbm:s0], s1  }
0x98: {  	s0 =	simm.s32 @!p0 $0x5  }
0x99: {  	_ =	swait.ge @!p0 [sflag:s0], s1  }
0x9a: {  	s1 =	ssub.s32 @!p0 $0x0, s1;
	[sflag:s0] =	ssyncset.done @!p0 $0x0  }
0x9b: {  	[sflag:s0] =	ssyncadd.s32 @!p0 s1  }
0x9c: {  	[bflag:$0x3] =	sbarrier.arrive $0xFFFF  }
0x9d: {  	_ =	shalt  }

</sc_bundles>
